<compile_context>
chip_gen: v7x
topology: tpu7x:2x2x1
jax: 0.10.2.dev20260603
libtpu: 0.0.44.dev20260713+nightly
codegen_flags: <defaults>
</compile_context>

<pallas_src>
import functools

import jax
import jax.numpy as jnp
from jax import lax
from jax.experimental import pallas as pl
from jax.experimental.pallas import tpu as pltpu
from jax.experimental.pallas import tpu_sc as plsc

B = 16384
H = 64
V = 1000000
NW = 32
BPW = B // NW
ICHUNK = 128
NCHUNK = BPW // ICHUNK
L = 16
BK = 16384
GRID = (V + BK - 1) // BK


def _tc_matvec_body(w8_ref, tu_ref, tv_ref, qu_ref, qv_ref):
    qu_ref[...] = jnp.dot(w8_ref[0:8, :], tu_ref[...],
                          preferred_element_type=jnp.float32)[0]
    qv_ref[...] = tv_ref[0, :]


_tc_matvec = pl.pallas_call(
    _tc_matvec_body,
    grid=(GRID,),
    in_specs=[
        pl.BlockSpec((16, H), lambda i: (0, 0)),
        pl.BlockSpec((H, BK), lambda i: (0, i)),
        pl.BlockSpec((H, BK), lambda i: (0, i)),
    ],
    out_specs=[
        pl.BlockSpec((BK,), lambda i: (i,)),
        pl.BlockSpec((BK,), lambda i: (i,)),
    ],
    out_shape=[
        jax.ShapeDtypeStruct((V,), jnp.float32),
        jax.ShapeDtypeStruct((V,), jnp.float32),
    ],
    compiler_params=pltpu.CompilerParams(
        dimension_semantics=("arbitrary",)),
)


def _make_sc_kernel():
    mesh = plsc.VectorSubcoreMesh(core_axis_name="c", subcore_axis_name="s")

    @functools.partial(
        pl.kernel,
        mesh=mesh,
        out_type=jax.ShapeDtypeStruct((B,), jnp.float32),
        compiler_params=pltpu.CompilerParams(
            needs_layout_passes=False, use_tc_tiling_on_sc=False),
        scratch_types=[
            pltpu.VMEM((NCHUNK, ICHUNK), jnp.int32),
            pltpu.VMEM((NCHUNK, ICHUNK), jnp.int32),
            pltpu.VMEM((NCHUNK, ICHUNK), jnp.float32),
            pltpu.VMEM((NCHUNK, ICHUNK), jnp.float32),
            pltpu.VMEM((L,), jnp.float32),
            pltpu.VMEM((BPW,), jnp.float32),
            pltpu.SemaphoreType.DMA,
        ],
    )
    def k(u_hbm, v_hbm, cvec_hbm, qu_hbm, qv_hbm, out_hbm,
          idx_u, idx_v, val_u, val_v, cv, res, sem):
        wid = lax.axis_index("s") * 2 + lax.axis_index("c")
        base = wid * BPW

        pltpu.sync_copy(u_hbm.at[wid], idx_u)
        pltpu.sync_copy(v_hbm.at[wid], idx_v)
        pltpu.sync_copy(cvec_hbm, cv)

        copies = []
        for j in range(NCHUNK):
            copies.append(pltpu.async_copy(
                qu_hbm.at[idx_u.at[j]], val_u.at[j], sem))
            copies.append(pltpu.async_copy(
                qv_hbm.at[idx_v.at[j]], val_v.at[j], sem))
        for cp in copies:
            cp.wait()

        cvec = cv[...]
        for j in range(NCHUNK):
            for g in range(ICHUNK // L):
                a = val_u[j, pl.ds(g * L, L)]
                b = val_v[j, pl.ds(g * L, L)]
                z = 1.0 / (1.0 + jnp.exp(-(a + b + cvec)))
                res[pl.ds(j * ICHUNK + g * L, L)] = z

        pltpu.sync_copy(res, out_hbm.at[pl.ds(base, BPW)])

    return k


_sc_kernel = _make_sc_kernel()


def kernel(u, v, table_u, table_v, W1, gamma, beta, W2):
    scale = (gamma * jax.lax.rsqrt(jnp.float32(1.0 + 1e-5))) * W2[0]
    weff = scale @ W1
    c = jnp.dot(beta, W2[0])
    w8 = jnp.zeros((16, H), jnp.float32)
    w8 = w8.at[0].set(weff[:H]).at[8].set(weff[H:])
    cvec = jnp.full((L,), c, jnp.float32)

    qu, qv = _tc_matvec(w8, table_u.T, table_v.T)

    u3 = u.reshape(NW, NCHUNK, ICHUNK).astype(jnp.int32)
    v3 = v.reshape(NW, NCHUNK, ICHUNK).astype(jnp.int32)
    out = _sc_kernel(u3, v3, cvec, qu, qv)
    return out.reshape(B, 1)

# --- scband reference (transcript-rebuilt; emitter-appended) ---
"""Pipeline reference for scband-cf-48627619726146 (READ-ONLY COPY).

The authoritative reference and input builder live on the scoring server;
editing this copy changes nothing except your own understanding.
"""

import jax, jax.numpy as jnp
import numpy as np

B = 16384
H = 64
U = 1000000
V = 1000000


def setup_inputs(seed: int = 0) -> dict:
    key = jax.random.key(seed)
    ks = jax.random.split(key, 7)
    u = jax.random.randint(ks[0], (B, 1), 0, U, dtype=jnp.int64 if jax.config.jax_enable_x64 else jnp.int32)
    v = jax.random.randint(ks[1], (B, 1), 0, V, dtype=jnp.int64 if jax.config.jax_enable_x64 else jnp.int32)
    table_u = jax.random.normal(ks[2], (U, H), dtype=jnp.float32) * 0.02
    table_v = jax.random.normal(ks[3], (V, H), dtype=jnp.float32) * 0.02
    # nn.Linear(hidden_size*2, 256, bias=False): weight shape [256, 128]
    W1 = jax.random.normal(ks[4], (256, 2 * H), dtype=jnp.float32) * (1.0 / np.sqrt(2 * H))
    # BatchNorm1d(256) affine params (eval mode: running_mean=0, running_var=1)
    gamma = jnp.ones((256,), dtype=jnp.float32)
    beta = jnp.zeros((256,), dtype=jnp.float32)
    # nn.Linear(256, 1, bias=False): weight shape [1, 256]
    W2 = jax.random.normal(ks[5], (1, 256), dtype=jnp.float32) * (1.0 / np.sqrt(256))
    return {"u": u, "v": v, "table_u": table_u, "table_v": table_v,
            "W1": W1, "gamma": gamma, "beta": beta, "W2": W2}


def reference(u, v, table_u, table_v, W1, gamma, beta, W2):
    # Embedding lookups (gather), shapes [B, 1, H] -> squeeze(1) -> [B, H]
    eu = jnp.take(table_u, u, axis=0).squeeze(1)
    ev = jnp.take(table_v, v, axis=0).squeeze(1)
    x = jnp.concatenate([eu, ev], axis=1)  # [B, 2H]
    # Dropout(0.3) in eval mode: identity
    x = x @ W1.T  # [B, 256]
    # BatchNorm1d in eval mode: (x - running_mean)/sqrt(running_var + eps) * gamma + beta
    eps = 1e-5
    running_mean = 0.0
    running_var = 1.0
    x = (x - running_mean) / jnp.sqrt(running_var + eps) * gamma + beta
    x = x @ W2.T  # [B, 1]
    x = jax.nn.sigmoid(x)
    return x

if __name__ == "__main__":
    import jax
    _d = setup_inputs()
    print(jax.jit(kernel)(*tuple(_d.values())))

</pallas_src>

<mosaic_0001>
#map = affine_map<(d0, d1) -> (0, 0, 0)>
#map1 = affine_map<(d0, d1) -> (0)>
module attributes {stable_mosaic.version = 14 : i64} {
  func.func @k(%arg0: i32, %arg1: i32, %arg2: memref<32x4x128xi32, #tpu.memory_space<hbm>>, %arg3: memref<32x4x128xi32, #tpu.memory_space<hbm>>, %arg4: memref<16xf32, #tpu.memory_space<hbm>>, %arg5: memref<1000000xf32, #tpu.memory_space<hbm>>, %arg6: memref<1000000xf32, #tpu.memory_space<hbm>>, %arg7: memref<16384xf32, #tpu.memory_space<hbm>>, %arg8: memref<4x128xi32, #tpu.memory_space<vmem>>, %arg9: memref<4x128xi32, #tpu.memory_space<vmem>>, %arg10: memref<4x128xf32, #tpu.memory_space<vmem>>, %arg11: memref<4x128xf32, #tpu.memory_space<vmem>>, %arg12: memref<16xf32, #tpu.memory_space<vmem>>, %arg13: memref<512xf32, #tpu.memory_space<vmem>>, %arg14: memref<!tpu.dma_semaphore, #tpu.memory_space<semaphore_mem>>) attributes {dimension_semantics = [#tpu.dimension_semantics<core_parallel>, #tpu.dimension_semantics<subcore_parallel>], iteration_bounds = array<i64: 2, 16>, scalar_prefetch = 0 : i64, scratch_operands = 7 : i64, tpu.core_type = #tpu.core_type<sc_vector_subcore>, window_params = [{transform_indices = #map}, {transform_indices = #map}, {transform_indices = #map1}, {transform_indices = #map1}, {transform_indices = #map1}, {transform_indices = #map1}]} {
    %mul3A = arith.constant 2 : i32
    %mul3A_0 = arith.muli %arg1, %mul3A : i32
    %add3A = arith.addi %mul3A_0, %arg0 : i32
    %mul3A_1 = arith.constant 512 : i32
    %mul3A_2 = arith.muli %add3A, %mul3A_1 : i32
    "tpu.region"() ({
      %run_scoped3A = tpu.sem_alloc : memref<!tpu.dma_semaphore, #tpu.memory_space<semaphore_mem>>
      %dma_start3A_862 = arith.constant 0 : i32
      %dma_start3A_863 = arith.constant 0 : i32
      %dma_start3A_864 = tpu.memref_slice %arg2[%add3A, %dma_start3A_862, %dma_start3A_863] : memref<32x4x128xi32, #tpu.memory_space<hbm>> -> memref<1x4x128xi32, #tpu.memory_space<hbm>>
      %dma_start3A_865 = tpu.memref_squeeze %dma_start3A_864 : memref<1x4x128xi32, #tpu.memory_space<hbm>> -> memref<4x128xi32, #tpu.memory_space<hbm>>
      %dma_start3A_866 = arith.constant 0 : i32
      %dma_start3A_867 = arith.constant 0 : i32
      %dma_start3A_868 = tpu.memref_slice %arg2[%add3A, %dma_start3A_866, %dma_start3A_867] : memref<32x4x128xi32, #tpu.memory_space<hbm>> -> memref<1x4x128xi32, #tpu.memory_space<hbm>>
      %dma_start3A_869 = tpu.memref_squeeze %dma_start3A_868 : memref<1x4x128xi32, #tpu.memory_space<hbm>> -> memref<4x128xi32, #tpu.memory_space<hbm>>
      tpu.enqueue_dma source(%dma_start3A_869 : memref<4x128xi32, #tpu.memory_space<hbm>>) target(%arg8 : memref<4x128xi32, #tpu.memory_space<vmem>>) target_semaphore(%run_scoped3A : memref<!tpu.dma_semaphore, #tpu.memory_space<semaphore_mem>>)
      %dma_wait3A_870 = arith.constant 0 : i32
      %dma_wait3A_871 = arith.constant 0 : i32
      %dma_wait3A_872 = tpu.memref_slice %arg2[%add3A, %dma_wait3A_870, %dma_wait3A_871] : memref<32x4x128xi32, #tpu.memory_space<hbm>> -> memref<1x4x128xi32, #tpu.memory_space<hbm>>
      %dma_wait3A_873 = tpu.memref_squeeze %dma_wait3A_872 : memref<1x4x128xi32, #tpu.memory_space<hbm>> -> memref<4x128xi32, #tpu.memory_space<hbm>>
      %dma_wait3A_874 = arith.constant 0 : i32
      %dma_wait3A_875 = arith.constant 0 : i32
      %dma_wait3A_876 = tpu.memref_slice %arg2[%add3A, %dma_wait3A_874, %dma_wait3A_875] : memref<32x4x128xi32, #tpu.memory_space<hbm>> -> memref<1x4x128xi32, #tpu.memory_space<hbm>>
      %dma_wait3A_877 = tpu.memref_squeeze %dma_wait3A_876 : memref<1x4x128xi32, #tpu.memory_space<hbm>> -> memref<4x128xi32, #tpu.memory_space<hbm>>
      tpu.wait_dma2 semaphore(%run_scoped3A : memref<!tpu.dma_semaphore, #tpu.memory_space<semaphore_mem>>) src(%dma_wait3A_877 : memref<4x128xi32, #tpu.memory_space<hbm>>) dst(%arg8 : memref<4x128xi32, #tpu.memory_space<vmem>>)
      tpu.yield
    }) : () -> ()
    "tpu.region"() ({
      %run_scoped3A = tpu.sem_alloc : memref<!tpu.dma_semaphore, #tpu.memory_space<semaphore_mem>>
      %dma_start3A_862 = arith.constant 0 : i32
      %dma_start3A_863 = arith.constant 0 : i32
      %dma_start3A_864 = tpu.memref_slice %arg3[%add3A, %dma_start3A_862, %dma_start3A_863] : memref<32x4x128xi32, #tpu.memory_space<hbm>> -> memref<1x4x128xi32, #tpu.memory_space<hbm>>
      %dma_start3A_865 = tpu.memref_squeeze %dma_start3A_864 : memref<1x4x128xi32, #tpu.memory_space<hbm>> -> memref<4x128xi32, #tpu.memory_space<hbm>>
      %dma_start3A_866 = arith.constant 0 : i32
      %dma_start3A_867 = arith.constant 0 : i32
      %dma_start3A_868 = tpu.memref_slice %arg3[%add3A, %dma_start3A_866, %dma_start3A_867] : memref<32x4x128xi32, #tpu.memory_space<hbm>> -> memref<1x4x128xi32, #tpu.memory_space<hbm>>
      %dma_start3A_869 = tpu.memref_squeeze %dma_start3A_868 : memref<1x4x128xi32, #tpu.memory_space<hbm>> -> memref<4x128xi32, #tpu.memory_space<hbm>>
      tpu.enqueue_dma source(%dma_start3A_869 : memref<4x128xi32, #tpu.memory_space<hbm>>) target(%arg9 : memref<4x128xi32, #tpu.memory_space<vmem>>) target_semaphore(%run_scoped3A : memref<!tpu.dma_semaphore, #tpu.memory_space<semaphore_mem>>)
      %dma_wait3A_870 = arith.constant 0 : i32
      %dma_wait3A_871 = arith.constant 0 : i32
      %dma_wait3A_872 = tpu.memref_slice %arg3[%add3A, %dma_wait3A_870, %dma_wait3A_871] : memref<32x4x128xi32, #tpu.memory_space<hbm>> -> memref<1x4x128xi32, #tpu.memory_space<hbm>>
      %dma_wait3A_873 = tpu.memref_squeeze %dma_wait3A_872 : memref<1x4x128xi32, #tpu.memory_space<hbm>> -> memref<4x128xi32, #tpu.memory_space<hbm>>
      %dma_wait3A_874 = arith.constant 0 : i32
      %dma_wait3A_875 = arith.constant 0 : i32
      %dma_wait3A_876 = tpu.memref_slice %arg3[%add3A, %dma_wait3A_874, %dma_wait3A_875] : memref<32x4x128xi32, #tpu.memory_space<hbm>> -> memref<1x4x128xi32, #tpu.memory_space<hbm>>
      %dma_wait3A_877 = tpu.memref_squeeze %dma_wait3A_876 : memref<1x4x128xi32, #tpu.memory_space<hbm>> -> memref<4x128xi32, #tpu.memory_space<hbm>>
      tpu.wait_dma2 semaphore(%run_scoped3A : memref<!tpu.dma_semaphore, #tpu.memory_space<semaphore_mem>>) src(%dma_wait3A_877 : memref<4x128xi32, #tpu.memory_space<hbm>>) dst(%arg9 : memref<4x128xi32, #tpu.memory_space<vmem>>)
      tpu.yield
    }) : () -> ()
    "tpu.region"() ({
      %run_scoped3A = tpu.sem_alloc : memref<!tpu.dma_semaphore, #tpu.memory_space<semaphore_mem>>
      tpu.enqueue_dma source(%arg4 : memref<16xf32, #tpu.memory_space<hbm>>) target(%arg12 : memref<16xf32, #tpu.memory_space<vmem>>) target_semaphore(%run_scoped3A : memref<!tpu.dma_semaphore, #tpu.memory_space<semaphore_mem>>)
      tpu.wait_dma2 semaphore(%run_scoped3A : memref<!tpu.dma_semaphore, #tpu.memory_space<semaphore_mem>>) src(%arg4 : memref<16xf32, #tpu.memory_space<hbm>>) dst(%arg12 : memref<16xf32, #tpu.memory_space<vmem>>)
      tpu.yield
    }) : () -> ()
    %dma_start3A = arith.constant 0 : i32
    %dma_start3A_3 = arith.constant 0 : i32
    %dma_start3A_4 = arith.constant 0 : i32
    %dma_start3A_5 = tpu.memref_slice %arg10[%dma_start3A_3, %dma_start3A_4] : memref<4x128xf32, #tpu.memory_space<vmem>> -> memref<1x128xf32, #tpu.memory_space<vmem>>
    %dma_start3A_6 = tpu.memref_squeeze %dma_start3A_5 : memref<1x128xf32, #tpu.memory_space<vmem>> -> memref<128xf32, #tpu.memory_space<vmem>>
    %dma_start3A_7 = arith.constant 0 : i32
    %dma_start3A_8 = tpu.memref_slice %arg8[%dma_start3A, %dma_start3A_7] : memref<4x128xi32, #tpu.memory_space<vmem>> -> memref<1x128xi32, #tpu.memory_space<vmem>>
    %dma_start3A_9 = tpu.memref_squeeze %dma_start3A_8 : memref<1x128xi32, #tpu.memory_space<vmem>> -> memref<128xi32, #tpu.memory_space<vmem>>
    %dma_start3A_10 = arith.constant 0 : i32
    %dma_start3A_11 = tpu.memref_slice %arg5[%dma_start3A_10] : memref<1000000xf32, #tpu.memory_space<hbm>> -> memref<1000000xf32, #tpu.memory_space<hbm>>
    tpu.enqueue_indirect_dma source(%dma_start3A_11 : memref<1000000xf32, #tpu.memory_space<hbm>>) target(%dma_start3A_6 : memref<128xf32, #tpu.memory_space<vmem>>) offsets(%dma_start3A_9 : memref<128xi32, #tpu.memory_space<vmem>>) semaphore(%arg14 : memref<!tpu.dma_semaphore, #tpu.memory_space<semaphore_mem>>)
    %dma_start3A_12 = arith.constant 0 : i32
    %dma_start3A_13 = arith.constant 0 : i32
    %dma_start3A_14 = arith.constant 0 : i32
    %dma_start3A_15 = tpu.memref_slice %arg11[%dma_start3A_13, %dma_start3A_14] : memref<4x128xf32, #tpu.memory_space<vmem>> -> memref<1x128xf32, #tpu.memory_space<vmem>>
    %dma_start3A_16 = tpu.memref_squeeze %dma_start3A_15 : memref<1x128xf32, #tpu.memory_space<vmem>> -> memref<128xf32, #tpu.memory_space<vmem>>
    %dma_start3A_17 = arith.constant 0 : i32
    %dma_start3A_18 = tpu.memref_slice %arg9[%dma_start3A_12, %dma_start3A_17] : memref<4x128xi32, #tpu.memory_space<vmem>> -> memref<1x128xi32, #tpu.memory_space<vmem>>
    %dma_start3A_19 = tpu.memref_squeeze %dma_start3A_18 : memref<1x128xi32, #tpu.memory_space<vmem>> -> memref<128xi32, #tpu.memory_space<vmem>>
    %dma_start3A_20 = arith.constant 0 : i32
    %dma_start3A_21 = tpu.memref_slice %arg6[%dma_start3A_20] : memref<1000000xf32, #tpu.memory_space<hbm>> -> memref<1000000xf32, #tpu.memory_space<hbm>>
    tpu.enqueue_indirect_dma source(%dma_start3A_21 : memref<1000000xf32, #tpu.memory_space<hbm>>) target(%dma_start3A_16 : memref<128xf32, #tpu.memory_space<vmem>>) offsets(%dma_start3A_19 : memref<128xi32, #tpu.memory_space<vmem>>) semaphore(%arg14 : memref<!tpu.dma_semaphore, #tpu.memory_space<semaphore_mem>>)
    %dma_start3A_22 = arith.constant 1 : i32
    %dma_start3A_23 = arith.constant 1 : i32
    %dma_start3A_24 = arith.constant 0 : i32
    %dma_start3A_25 = tpu.memref_slice %arg10[%dma_start3A_23, %dma_start3A_24] : memref<4x128xf32, #tpu.memory_space<vmem>> -> memref<1x128xf32, #tpu.memory_space<vmem>>
    %dma_start3A_26 = tpu.memref_squeeze %dma_start3A_25 : memref<1x128xf32, #tpu.memory_space<vmem>> -> memref<128xf32, #tpu.memory_space<vmem>>
    %dma_start3A_27 = arith.constant 0 : i32
    %dma_start3A_28 = tpu.memref_slice %arg8[%dma_start3A_22, %dma_start3A_27] : memref<4x128xi32, #tpu.memory_space<vmem>> -> memref<1x128xi32, #tpu.memory_space<vmem>>
    %dma_start3A_29 = tpu.memref_squeeze %dma_start3A_28 : memref<1x128xi32, #tpu.memory_space<vmem>> -> memref<128xi32, #tpu.memory_space<vmem>>
    %dma_start3A_30 = arith.constant 0 : i32
    %dma_start3A_31 = tpu.memref_slice %arg5[%dma_start3A_30] : memref<1000000xf32, #tpu.memory_space<hbm>> -> memref<1000000xf32, #tpu.memory_space<hbm>>
    tpu.enqueue_indirect_dma source(%dma_start3A_31 : memref<1000000xf32, #tpu.memory_space<hbm>>) target(%dma_start3A_26 : memref<128xf32, #tpu.memory_space<vmem>>) offsets(%dma_start3A_29 : memref<128xi32, #tpu.memory_space<vmem>>) semaphore(%arg14 : memref<!tpu.dma_semaphore, #tpu.memory_space<semaphore_mem>>)
    %dma_start3A_32 = arith.constant 1 : i32
    %dma_start3A_33 = arith.constant 1 : i32
    %dma_start3A_34 = arith.constant 0 : i32
    %dma_start3A_35 = tpu.memref_slice %arg11[%dma_start3A_33, %dma_start3A_34] : memref<4x128xf32, #tpu.memory_space<vmem>> -> memref<1x128xf32, #tpu.memory_space<vmem>>
    %dma_start3A_36 = tpu.memref_squeeze %dma_start3A_35 : memref<1x128xf32, #tpu.memory_space<vmem>> -> memref<128xf32, #tpu.memory_space<vmem>>
    %dma_start3A_37 = arith.constant 0 : i32
    %dma_start3A_38 = tpu.memref_slice %arg9[%dma_start3A_32, %dma_start3A_37] : memref<4x128xi32, #tpu.memory_space<vmem>> -> memref<1x128xi32, #tpu.memory_space<vmem>>
    %dma_start3A_39 = tpu.memref_squeeze %dma_start3A_38 : memref<1x128xi32, #tpu.memory_space<vmem>> -> memref<128xi32, #tpu.memory_space<vmem>>
    %dma_start3A_40 = arith.constant 0 : i32
    %dma_start3A_41 = tpu.memref_slice %arg6[%dma_start3A_40] : memref<1000000xf32, #tpu.memory_space<hbm>> -> memref<1000000xf32, #tpu.memory_space<hbm>>
    tpu.enqueue_indirect_dma source(%dma_start3A_41 : memref<1000000xf32, #tpu.memory_space<hbm>>) target(%dma_start3A_36 : memref<128xf32, #tpu.memory_space<vmem>>) offsets(%dma_start3A_39 : memref<128xi32, #tpu.memory_space<vmem>>) semaphore(%arg14 : memref<!tpu.dma_semaphore, #tpu.memory_space<semaphore_mem>>)
    %dma_start3A_42 = arith.constant 2 : i32
    %dma_start3A_43 = arith.constant 2 : i32
    %dma_start3A_44 = arith.constant 0 : i32
    %dma_start3A_45 = tpu.memref_slice %arg10[%dma_start3A_43, %dma_start3A_44] : memref<4x128xf32, #tpu.memory_space<vmem>> -> memref<1x128xf32, #tpu.memory_space<vmem>>
    %dma_start3A_46 = tpu.memref_squeeze %dma_start3A_45 : memref<1x128xf32, #tpu.memory_space<vmem>> -> memref<128xf32, #tpu.memory_space<vmem>>
    %dma_start3A_47 = arith.constant 0 : i32
    %dma_start3A_48 = tpu.memref_slice %arg8[%dma_start3A_42, %dma_start3A_47] : memref<4x128xi32, #tpu.memory_space<vmem>> -> memref<1x128xi32, #tpu.memory_space<vmem>>
    %dma_start3A_49 = tpu.memref_squeeze %dma_start3A_48 : memref<1x128xi32, #tpu.memory_space<vmem>> -> memref<128xi32, #tpu.memory_space<vmem>>
    %dma_start3A_50 = arith.constant 0 : i32
    %dma_start3A_51 = tpu.memref_slice %arg5[%dma_start3A_50] : memref<1000000xf32, #tpu.memory_space<hbm>> -> memref<1000000xf32, #tpu.memory_space<hbm>>
    tpu.enqueue_indirect_dma source(%dma_start3A_51 : memref<1000000xf32, #tpu.memory_space<hbm>>) target(%dma_start3A_46 : memref<128xf32, #tpu.memory_space<vmem>>) offsets(%dma_start3A_49 : memref<128xi32, #tpu.memory_space<vmem>>) semaphore(%arg14 : memref<!tpu.dma_semaphore, #tpu.memory_space<semaphore_mem>>)
    %dma_start3A_52 = arith.constant 2 : i32
    %dma_start3A_53 = arith.constant 2 : i32
    %dma_start3A_54 = arith.constant 0 : i32
    %dma_start3A_55 = tpu.memref_slice %arg11[%dma_start3A_53, %dma_start3A_54] : memref<4x128xf32, #tpu.memory_space<vmem>> -> memref<1x128xf32, #tpu.memory_space<vmem>>
    %dma_start3A_56 = tpu.memref_squeeze %dma_start3A_55 : memref<1x128xf32, #tpu.memory_space<vmem>> -> memref<128xf32, #tpu.memory_space<vmem>>
    %dma_start3A_57 = arith.constant 0 : i32
    %dma_start3A_58 = tpu.memref_slice %arg9[%dma_start3A_52, %dma_start3A_57] : memref<4x128xi32, #tpu.memory_space<vmem>> -> memref<1x128xi32, #tpu.memory_space<vmem>>
    %dma_start3A_59 = tpu.memref_squeeze %dma_start3A_58 : memref<1x128xi32, #tpu.memory_space<vmem>> -> memref<128xi32, #tpu.memory_space<vmem>>
    %dma_start3A_60 = arith.constant 0 : i32
    %dma_start3A_61 = tpu.memref_slice %arg6[%dma_start3A_60] : memref<1000000xf32, #tpu.memory_space<hbm>> -> memref<1000000xf32, #tpu.memory_space<hbm>>
    tpu.enqueue_indirect_dma source(%dma_start3A_61 : memref<1000000xf32, #tpu.memory_space<hbm>>) target(%dma_start3A_56 : memref<128xf32, #tpu.memory_space<vmem>>) offsets(%dma_start3A_59 : memref<128xi32, #tpu.memory_space<vmem>>) semaphore(%arg14 : memref<!tpu.dma_semaphore, #tpu.memory_space<semaphore_mem>>)
    %dma_start3A_62 = arith.constant 3 : i32
    %dma_start3A_63 = arith.constant 3 : i32
    %dma_start3A_64 = arith.constant 0 : i32
    %dma_start3A_65 = tpu.memref_slice %arg10[%dma_start3A_63, %dma_start3A_64] : memref<4x128xf32, #tpu.memory_space<vmem>> -> memref<1x128xf32, #tpu.memory_space<vmem>>
    %dma_start3A_66 = tpu.memref_squeeze %dma_start3A_65 : memref<1x128xf32, #tpu.memory_space<vmem>> -> memref<128xf32, #tpu.memory_space<vmem>>
    %dma_start3A_67 = arith.constant 0 : i32
    %dma_start3A_68 = tpu.memref_slice %arg8[%dma_start3A_62, %dma_start3A_67] : memref<4x128xi32, #tpu.memory_space<vmem>> -> memref<1x128xi32, #tpu.memory_space<vmem>>
    %dma_start3A_69 = tpu.memref_squeeze %dma_start3A_68 : memref<1x128xi32, #tpu.memory_space<vmem>> -> memref<128xi32, #tpu.memory_space<vmem>>
    %dma_start3A_70 = arith.constant 0 : i32
    %dma_start3A_71 = tpu.memref_slice %arg5[%dma_start3A_70] : memref<1000000xf32, #tpu.memory_space<hbm>> -> memref<1000000xf32, #tpu.memory_space<hbm>>
    tpu.enqueue_indirect_dma source(%dma_start3A_71 : memref<1000000xf32, #tpu.memory_space<hbm>>) target(%dma_start3A_66 : memref<128xf32, #tpu.memory_space<vmem>>) offsets(%dma_start3A_69 : memref<128xi32, #tpu.memory_space<vmem>>) semaphore(%arg14 : memref<!tpu.dma_semaphore, #tpu.memory_space<semaphore_mem>>)
    %dma_start3A_72 = arith.constant 3 : i32
    %dma_start3A_73 = arith.constant 3 : i32
    %dma_start3A_74 = arith.constant 0 : i32
    %dma_start3A_75 = tpu.memref_slice %arg11[%dma_start3A_73, %dma_start3A_74] : memref<4x128xf32, #tpu.memory_space<vmem>> -> memref<1x128xf32, #tpu.memory_space<vmem>>
    %dma_start3A_76 = tpu.memref_squeeze %dma_start3A_75 : memref<1x128xf32, #tpu.memory_space<vmem>> -> memref<128xf32, #tpu.memory_space<vmem>>
    %dma_start3A_77 = arith.constant 0 : i32
    %dma_start3A_78 = tpu.memref_slice %arg9[%dma_start3A_72, %dma_start3A_77] : memref<4x128xi32, #tpu.memory_space<vmem>> -> memref<1x128xi32, #tpu.memory_space<vmem>>
    %dma_start3A_79 = tpu.memref_squeeze %dma_start3A_78 : memref<1x128xi32, #tpu.memory_space<vmem>> -> memref<128xi32, #tpu.memory_space<vmem>>
    %dma_start3A_80 = arith.constant 0 : i32
    %dma_start3A_81 = tpu.memref_slice %arg6[%dma_start3A_80] : memref<1000000xf32, #tpu.memory_space<hbm>> -> memref<1000000xf32, #tpu.memory_space<hbm>>
    tpu.enqueue_indirect_dma source(%dma_start3A_81 : memref<1000000xf32, #tpu.memory_space<hbm>>) target(%dma_start3A_76 : memref<128xf32, #tpu.memory_space<vmem>>) offsets(%dma_start3A_79 : memref<128xi32, #tpu.memory_space<vmem>>) semaphore(%arg14 : memref<!tpu.dma_semaphore, #tpu.memory_space<semaphore_mem>>)
    %dma_wait3A = arith.constant 0 : i32
    %dma_wait3A_82 = arith.constant 0 : i32
    %dma_wait3A_83 = arith.constant 0 : i32
    %dma_wait3A_84 = tpu.memref_slice %arg10[%dma_wait3A_82, %dma_wait3A_83] : memref<4x128xf32, #tpu.memory_space<vmem>> -> memref<1x128xf32, #tpu.memory_space<vmem>>
    %dma_wait3A_85 = tpu.memref_squeeze %dma_wait3A_84 : memref<1x128xf32, #tpu.memory_space<vmem>> -> memref<128xf32, #tpu.memory_space<vmem>>
    %dma_wait3A_86 = arith.constant 0 : i32
    %dma_wait3A_87 = tpu.memref_slice %arg8[%dma_wait3A, %dma_wait3A_86] : memref<4x128xi32, #tpu.memory_space<vmem>> -> memref<1x128xi32, #tpu.memory_space<vmem>>
    %dma_wait3A_88 = tpu.memref_squeeze %dma_wait3A_87 : memref<1x128xi32, #tpu.memory_space<vmem>> -> memref<128xi32, #tpu.memory_space<vmem>>
    %dma_wait3A_89 = arith.constant 0 : i32
    %dma_wait3A_90 = tpu.memref_slice %arg5[%dma_wait3A_89] : memref<1000000xf32, #tpu.memory_space<hbm>> -> memref<1000000xf32, #tpu.memory_space<hbm>>
    tpu.wait_indirect_dma semaphore(%arg14 : memref<!tpu.dma_semaphore, #tpu.memory_space<semaphore_mem>>) src(%dma_wait3A_90 : memref<1000000xf32, #tpu.memory_space<hbm>>) dst(%dma_wait3A_85 : memref<128xf32, #tpu.memory_space<vmem>>)
    %dma_wait3A_91 = arith.constant 0 : i32
    %dma_wait3A_92 = arith.constant 0 : i32
    %dma_wait3A_93 = arith.constant 0 : i32
    %dma_wait3A_94 = tpu.memref_slice %arg11[%dma_wait3A_92, %dma_wait3A_93] : memref<4x128xf32, #tpu.memory_space<vmem>> -> memref<1x128xf32, #tpu.memory_space<vmem>>
    %dma_wait3A_95 = tpu.memref_squeeze %dma_wait3A_94 : memref<1x128xf32, #tpu.memory_space<vmem>> -> memref<128xf32, #tpu.memory_space<vmem>>
    %dma_wait3A_96 = arith.constant 0 : i32
    %dma_wait3A_97 = tpu.memref_slice %arg9[%dma_wait3A_91, %dma_wait3A_96] : memref<4x128xi32, #tpu.memory_space<vmem>> -> memref<1x128xi32, #tpu.memory_space<vmem>>
    %dma_wait3A_98 = tpu.memref_squeeze %dma_wait3A_97 : memref<1x128xi32, #tpu.memory_space<vmem>> -> memref<128xi32, #tpu.memory_space<vmem>>
    %dma_wait3A_99 = arith.constant 0 : i32
    %dma_wait3A_100 = tpu.memref_slice %arg6[%dma_wait3A_99] : memref<1000000xf32, #tpu.memory_space<hbm>> -> memref<1000000xf32, #tpu.memory_space<hbm>>
    tpu.wait_indirect_dma semaphore(%arg14 : memref<!tpu.dma_semaphore, #tpu.memory_space<semaphore_mem>>) src(%dma_wait3A_100 : memref<1000000xf32, #tpu.memory_space<hbm>>) dst(%dma_wait3A_95 : memref<128xf32, #tpu.memory_space<vmem>>)
    %dma_wait3A_101 = arith.constant 1 : i32
    %dma_wait3A_102 = arith.constant 1 : i32
    %dma_wait3A_103 = arith.constant 0 : i32
    %dma_wait3A_104 = tpu.memref_slice %arg10[%dma_wait3A_102, %dma_wait3A_103] : memref<4x128xf32, #tpu.memory_space<vmem>> -> memref<1x128xf32, #tpu.memory_space<vmem>>
    %dma_wait3A_105 = tpu.memref_squeeze %dma_wait3A_104 : memref<1x128xf32, #tpu.memory_space<vmem>> -> memref<128xf32, #tpu.memory_space<vmem>>
    %dma_wait3A_106 = arith.constant 0 : i32
    %dma_wait3A_107 = tpu.memref_slice %arg8[%dma_wait3A_101, %dma_wait3A_106] : memref<4x128xi32, #tpu.memory_space<vmem>> -> memref<1x128xi32, #tpu.memory_space<vmem>>
    %dma_wait3A_108 = tpu.memref_squeeze %dma_wait3A_107 : memref<1x128xi32, #tpu.memory_space<vmem>> -> memref<128xi32, #tpu.memory_space<vmem>>
    %dma_wait3A_109 = arith.constant 0 : i32
    %dma_wait3A_110 = tpu.memref_slice %arg5[%dma_wait3A_109] : memref<1000000xf32, #tpu.memory_space<hbm>> -> memref<1000000xf32, #tpu.memory_space<hbm>>
    tpu.wait_indirect_dma semaphore(%arg14 : memref<!tpu.dma_semaphore, #tpu.memory_space<semaphore_mem>>) src(%dma_wait3A_110 : memref<1000000xf32, #tpu.memory_space<hbm>>) dst(%dma_wait3A_105 : memref<128xf32, #tpu.memory_space<vmem>>)
    %dma_wait3A_111 = arith.constant 1 : i32
    %dma_wait3A_112 = arith.constant 1 : i32
    %dma_wait3A_113 = arith.constant 0 : i32
    %dma_wait3A_114 = tpu.memref_slice %arg11[%dma_wait3A_112, %dma_wait3A_113] : memref<4x128xf32, #tpu.memory_space<vmem>> -> memref<1x128xf32, #tpu.memory_space<vmem>>
    %dma_wait3A_115 = tpu.memref_squeeze %dma_wait3A_114 : memref<1x128xf32, #tpu.memory_space<vmem>> -> memref<128xf32, #tpu.memory_space<vmem>>
    %dma_wait3A_116 = arith.constant 0 : i32
    %dma_wait3A_117 = tpu.memref_slice %arg9[%dma_wait3A_111, %dma_wait3A_116] : memref<4x128xi32, #tpu.memory_space<vmem>> -> memref<1x128xi32, #tpu.memory_space<vmem>>
    %dma_wait3A_118 = tpu.memref_squeeze %dma_wait3A_117 : memref<1x128xi32, #tpu.memory_space<vmem>> -> memref<128xi32, #tpu.memory_space<vmem>>
    %dma_wait3A_119 = arith.constant 0 : i32
    %dma_wait3A_120 = tpu.memref_slice %arg6[%dma_wait3A_119] : memref<1000000xf32, #tpu.memory_space<hbm>> -> memref<1000000xf32, #tpu.memory_space<hbm>>
    tpu.wait_indirect_dma semaphore(%arg14 : memref<!tpu.dma_semaphore, #tpu.memory_space<semaphore_mem>>) src(%dma_wait3A_120 : memref<1000000xf32, #tpu.memory_space<hbm>>) dst(%dma_wait3A_115 : memref<128xf32, #tpu.memory_space<vmem>>)
    %dma_wait3A_121 = arith.constant 2 : i32
    %dma_wait3A_122 = arith.constant 2 : i32
    %dma_wait3A_123 = arith.constant 0 : i32
    %dma_wait3A_124 = tpu.memref_slice %arg10[%dma_wait3A_122, %dma_wait3A_123] : memref<4x128xf32, #tpu.memory_space<vmem>> -> memref<1x128xf32, #tpu.memory_space<vmem>>
    %dma_wait3A_125 = tpu.memref_squeeze %dma_wait3A_124 : memref<1x128xf32, #tpu.memory_space<vmem>> -> memref<128xf32, #tpu.memory_space<vmem>>
    %dma_wait3A_126 = arith.constant 0 : i32
    %dma_wait3A_127 = tpu.memref_slice %arg8[%dma_wait3A_121, %dma_wait3A_126] : memref<4x128xi32, #tpu.memory_space<vmem>> -> memref<1x128xi32, #tpu.memory_space<vmem>>
    %dma_wait3A_128 = tpu.memref_squeeze %dma_wait3A_127 : memref<1x128xi32, #tpu.memory_space<vmem>> -> memref<128xi32, #tpu.memory_space<vmem>>
    %dma_wait3A_129 = arith.constant 0 : i32
    %dma_wait3A_130 = tpu.memref_slice %arg5[%dma_wait3A_129] : memref<1000000xf32, #tpu.memory_space<hbm>> -> memref<1000000xf32, #tpu.memory_space<hbm>>
    tpu.wait_indirect_dma semaphore(%arg14 : memref<!tpu.dma_semaphore, #tpu.memory_space<semaphore_mem>>) src(%dma_wait3A_130 : memref<1000000xf32, #tpu.memory_space<hbm>>) dst(%dma_wait3A_125 : memref<128xf32, #tpu.memory_space<vmem>>)
    %dma_wait3A_131 = arith.constant 2 : i32
    %dma_wait3A_132 = arith.constant 2 : i32
    %dma_wait3A_133 = arith.constant 0 : i32
    %dma_wait3A_134 = tpu.memref_slice %arg11[%dma_wait3A_132, %dma_wait3A_133] : memref<4x128xf32, #tpu.memory_space<vmem>> -> memref<1x128xf32, #tpu.memory_space<vmem>>
    %dma_wait3A_135 = tpu.memref_squeeze %dma_wait3A_134 : memref<1x128xf32, #tpu.memory_space<vmem>> -> memref<128xf32, #tpu.memory_space<vmem>>
    %dma_wait3A_136 = arith.constant 0 : i32
    %dma_wait3A_137 = tpu.memref_slice %arg9[%dma_wait3A_131, %dma_wait3A_136] : memref<4x128xi32, #tpu.memory_space<vmem>> -> memref<1x128xi32, #tpu.memory_space<vmem>>
    %dma_wait3A_138 = tpu.memref_squeeze %dma_wait3A_137 : memref<1x128xi32, #tpu.memory_space<vmem>> -> memref<128xi32, #tpu.memory_space<vmem>>
    %dma_wait3A_139 = arith.constant 0 : i32
    %dma_wait3A_140 = tpu.memref_slice %arg6[%dma_wait3A_139] : memref<1000000xf32, #tpu.memory_space<hbm>> -> memref<1000000xf32, #tpu.memory_space<hbm>>
    tpu.wait_indirect_dma semaphore(%arg14 : memref<!tpu.dma_semaphore, #tpu.memory_space<semaphore_mem>>) src(%dma_wait3A_140 : memref<1000000xf32, #tpu.memory_space<hbm>>) dst(%dma_wait3A_135 : memref<128xf32, #tpu.memory_space<vmem>>)
    %dma_wait3A_141 = arith.constant 3 : i32
    %dma_wait3A_142 = arith.constant 3 : i32
    %dma_wait3A_143 = arith.constant 0 : i32
    %dma_wait3A_144 = tpu.memref_slice %arg10[%dma_wait3A_142, %dma_wait3A_143] : memref<4x128xf32, #tpu.memory_space<vmem>> -> memref<1x128xf32, #tpu.memory_space<vmem>>
    %dma_wait3A_145 = tpu.memref_squeeze %dma_wait3A_144 : memref<1x128xf32, #tpu.memory_space<vmem>> -> memref<128xf32, #tpu.memory_space<vmem>>
    %dma_wait3A_146 = arith.constant 0 : i32
    %dma_wait3A_147 = tpu.memref_slice %arg8[%dma_wait3A_141, %dma_wait3A_146] : memref<4x128xi32, #tpu.memory_space<vmem>> -> memref<1x128xi32, #tpu.memory_space<vmem>>
    %dma_wait3A_148 = tpu.memref_squeeze %dma_wait3A_147 : memref<1x128xi32, #tpu.memory_space<vmem>> -> memref<128xi32, #tpu.memory_space<vmem>>
    %dma_wait3A_149 = arith.constant 0 : i32
    %dma_wait3A_150 = tpu.memref_slice %arg5[%dma_wait3A_149] : memref<1000000xf32, #tpu.memory_space<hbm>> -> memref<1000000xf32, #tpu.memory_space<hbm>>
    tpu.wait_indirect_dma semaphore(%arg14 : memref<!tpu.dma_semaphore, #tpu.memory_space<semaphore_mem>>) src(%dma_wait3A_150 : memref<1000000xf32, #tpu.memory_space<hbm>>) dst(%dma_wait3A_145 : memref<128xf32, #tpu.memory_space<vmem>>)
    %dma_wait3A_151 = arith.constant 3 : i32
    %dma_wait3A_152 = arith.constant 3 : i32
    %dma_wait3A_153 = arith.constant 0 : i32
    %dma_wait3A_154 = tpu.memref_slice %arg11[%dma_wait3A_152, %dma_wait3A_153] : memref<4x128xf32, #tpu.memory_space<vmem>> -> memref<1x128xf32, #tpu.memory_space<vmem>>
    %dma_wait3A_155 = tpu.memref_squeeze %dma_wait3A_154 : memref<1x128xf32, #tpu.memory_space<vmem>> -> memref<128xf32, #tpu.memory_space<vmem>>
    %dma_wait3A_156 = arith.constant 0 : i32
    %dma_wait3A_157 = tpu.memref_slice %arg9[%dma_wait3A_151, %dma_wait3A_156] : memref<4x128xi32, #tpu.memory_space<vmem>> -> memref<1x128xi32, #tpu.memory_space<vmem>>
    %dma_wait3A_158 = tpu.memref_squeeze %dma_wait3A_157 : memref<1x128xi32, #tpu.memory_space<vmem>> -> memref<128xi32, #tpu.memory_space<vmem>>
    %dma_wait3A_159 = arith.constant 0 : i32
    %dma_wait3A_160 = tpu.memref_slice %arg6[%dma_wait3A_159] : memref<1000000xf32, #tpu.memory_space<hbm>> -> memref<1000000xf32, #tpu.memory_space<hbm>>
    tpu.wait_indirect_dma semaphore(%arg14 : memref<!tpu.dma_semaphore, #tpu.memory_space<semaphore_mem>>) src(%dma_wait3A_160 : memref<1000000xf32, #tpu.memory_space<hbm>>) dst(%dma_wait3A_155 : memref<128xf32, #tpu.memory_space<vmem>>)
    %get3A = arith.constant 0 : index
    %get3A_161 = tpu.vector_load %arg12[%get3A] {strides = array<i32>} : memref<16xf32, #tpu.memory_space<vmem>>, vector<16xf32>,
    %get3A_162 = arith.constant 0 : i32
    %get3A_163 = arith.index_cast %get3A_162 : i32 to index
    %get3A_164 = arith.constant 0 : index
    %get3A_165 = tpu.vector_load %arg10[%get3A_163, %get3A_164] {strides = array<i32>} : memref<4x128xf32, #tpu.memory_space<vmem>>, vector<16xf32>,
    %get3A_166 = arith.constant 0 : i32
    %get3A_167 = arith.index_cast %get3A_166 : i32 to index
    %get3A_168 = arith.constant 0 : index
    %get3A_169 = tpu.vector_load %arg11[%get3A_167, %get3A_168] {strides = array<i32>} : memref<4x128xf32, #tpu.memory_space<vmem>>, vector<16xf32>,
    %add3A_170 = arith.addf %get3A_165, %get3A_169 : vector<16xf32>
    %add3A_171 = arith.addf %add3A_170, %get3A_161 : vector<16xf32>
    %neg3A = arith.constant 0.000000e+00 : f32
    %neg3A_172 = vector.broadcast %neg3A : f32 to vector<16xf32>
    %neg3A_173 = arith.subf %neg3A_172, %add3A_171 : vector<16xf32>
    %exp3A = math.exp %neg3A_173 : vector<16xf32>
    %add3A_174 = arith.constant 1.000000e+00 : f32
    %add3A_175 = vector.broadcast %add3A_174 : f32 to vector<16xf32>
    %add3A_176 = arith.addf %add3A_175, %exp3A : vector<16xf32>
    %div3A = arith.constant 1.000000e+00 : f32
    %div3A_177 = vector.broadcast %div3A : f32 to vector<16xf32>
    %div3A_178 = arith.divf %div3A_177, %add3A_176 : vector<16xf32>
    %swap3A = arith.constant 0 : index
    %swap3A_179 = tpu.vector_load %arg13[%swap3A] {strides = array<i32>} : memref<512xf32, #tpu.memory_space<vmem>>, vector<16xf32>,
    tpu.vector_store %arg13[%swap3A], %div3A_178 {strides = array<i32>} : memref<512xf32, #tpu.memory_space<vmem>>, vector<16xf32>,
    %get3A_180 = arith.constant 0 : i32
    %get3A_181 = arith.index_cast %get3A_180 : i32 to index
    %get3A_182 = arith.constant 16 : index
    %get3A_183 = tpu.vector_load %arg10[%get3A_181, %get3A_182] {strides = array<i32>} : memref<4x128xf32, #tpu.memory_space<vmem>>, vector<16xf32>,
    %get3A_184 = arith.constant 0 : i32
    %get3A_185 = arith.index_cast %get3A_184 : i32 to index
    %get3A_186 = arith.constant 16 : index
    %get3A_187 = tpu.vector_load %arg11[%get3A_185, %get3A_186] {strides = array<i32>} : memref<4x128xf32, #tpu.memory_space<vmem>>, vector<16xf32>,
    %add3A_188 = arith.addf %get3A_183, %get3A_187 : vector<16xf32>
    %add3A_189 = arith.addf %add3A_188, %get3A_161 : vector<16xf32>
    %neg3A_190 = arith.constant 0.000000e+00 : f32
    %neg3A_191 = vector.broadcast %neg3A_190 : f32 to vector<16xf32>
    %neg3A_192 = arith.subf %neg3A_191, %add3A_189 : vector<16xf32>
    %exp3A_193 = math.exp %neg3A_192 : vector<16xf32>
    %add3A_194 = arith.constant 1.000000e+00 : f32
    %add3A_195 = vector.broadcast %add3A_194 : f32 to vector<16xf32>
    %add3A_196 = arith.addf %add3A_195, %exp3A_193 : vector<16xf32>
    %div3A_197 = arith.constant 1.000000e+00 : f32
    %div3A_198 = vector.broadcast %div3A_197 : f32 to vector<16xf32>
    %div3A_199 = arith.divf %div3A_198, %add3A_196 : vector<16xf32>
    %swap3A_200 = arith.constant 16 : index
    %swap3A_201 = tpu.vector_load %arg13[%swap3A_200] {strides = array<i32>} : memref<512xf32, #tpu.memory_space<vmem>>, vector<16xf32>,
    tpu.vector_store %arg13[%swap3A_200], %div3A_199 {strides = array<i32>} : memref<512xf32, #tpu.memory_space<vmem>>, vector<16xf32>,
    %get3A_202 = arith.constant 0 : i32
    %get3A_203 = arith.index_cast %get3A_202 : i32 to index
    %get3A_204 = arith.constant 32 : index
    %get3A_205 = tpu.vector_load %arg10[%get3A_203, %get3A_204] {strides = array<i32>} : memref<4x128xf32, #tpu.memory_space<vmem>>, vector<16xf32>,
    %get3A_206 = arith.constant 0 : i32
    %get3A_207 = arith.index_cast %get3A_206 : i32 to index
    %get3A_208 = arith.constant 32 : index
    %get3A_209 = tpu.vector_load %arg11[%get3A_207, %get3A_208] {strides = array<i32>} : memref<4x128xf32, #tpu.memory_space<vmem>>, vector<16xf32>,
    %add3A_210 = arith.addf %get3A_205, %get3A_209 : vector<16xf32>
    %add3A_211 = arith.addf %add3A_210, %get3A_161 : vector<16xf32>
    %neg3A_212 = arith.constant 0.000000e+00 : f32
    %neg3A_213 = vector.broadcast %neg3A_212 : f32 to vector<16xf32>
    %neg3A_214 = arith.subf %neg3A_213, %add3A_211 : vector<16xf32>
    %exp3A_215 = math.exp %neg3A_214 : vector<16xf32>
    %add3A_216 = arith.constant 1.000000e+00 : f32
    %add3A_217 = vector.broadcast %add3A_216 : f32 to vector<16xf32>
    %add3A_218 = arith.addf %add3A_217, %exp3A_215 : vector<16xf32>
    %div3A_219 = arith.constant 1.000000e+00 : f32
    %div3A_220 = vector.broadcast %div3A_219 : f32 to vector<16xf32>
    %div3A_221 = arith.divf %div3A_220, %add3A_218 : vector<16xf32>
    %swap3A_222 = arith.constant 32 : index
    %swap3A_223 = tpu.vector_load %arg13[%swap3A_222] {strides = array<i32>} : memref<512xf32, #tpu.memory_space<vmem>>, vector<16xf32>,
    tpu.vector_store %arg13[%swap3A_222], %div3A_221 {strides = array<i32>} : memref<512xf32, #tpu.memory_space<vmem>>, vector<16xf32>,
    %get3A_224 = arith.constant 0 : i32
    %get3A_225 = arith.index_cast %get3A_224 : i32 to index
    %get3A_226 = arith.constant 48 : index
    %get3A_227 = tpu.vector_load %arg10[%get3A_225, %get3A_226] {strides = array<i32>} : memref<4x128xf32, #tpu.memory_space<vmem>>, vector<16xf32>,
    %get3A_228 = arith.constant 0 : i32
    %get3A_229 = arith.index_cast %get3A_228 : i32 to index
    %get3A_230 = arith.constant 48 : index
    %get3A_231 = tpu.vector_load %arg11[%get3A_229, %get3A_230] {strides = array<i32>} : memref<4x128xf32, #tpu.memory_space<vmem>>, vector<16xf32>,
    %add3A_232 = arith.addf %get3A_227, %get3A_231 : vector<16xf32>
    %add3A_233 = arith.addf %add3A_232, %get3A_161 : vector<16xf32>
    %neg3A_234 = arith.constant 0.000000e+00 : f32
    %neg3A_235 = vector.broadcast %neg3A_234 : f32 to vector<16xf32>
    %neg3A_236 = arith.subf %neg3A_235, %add3A_233 : vector<16xf32>
    %exp3A_237 = math.exp %neg3A_236 : vector<16xf32>
    %add3A_238 = arith.constant 1.000000e+00 : f32
    %add3A_239 = vector.broadcast %add3A_238 : f32 to vector<16xf32>
    %add3A_240 = arith.addf %add3A_239, %exp3A_237 : vector<16xf32>
    %div3A_241 = arith.constant 1.000000e+00 : f32
    %div3A_242 = vector.broadcast %div3A_241 : f32 to vector<16xf32>
    %div3A_243 = arith.divf %div3A_242, %add3A_240 : vector<16xf32>
    %swap3A_244 = arith.constant 48 : index
    %swap3A_245 = tpu.vector_load %arg13[%swap3A_244] {strides = array<i32>} : memref<512xf32, #tpu.memory_space<vmem>>, vector<16xf32>,
    tpu.vector_store %arg13[%swap3A_244], %div3A_243 {strides = array<i32>} : memref<512xf32, #tpu.memory_space<vmem>>, vector<16xf32>,
    %get3A_246 = arith.constant 0 : i32
    %get3A_247 = arith.index_cast %get3A_246 : i32 to index
    %get3A_248 = arith.constant 64 : index
    %get3A_249 = tpu.vector_load %arg10[%get3A_247, %get3A_248] {strides = array<i32>} : memref<4x128xf32, #tpu.memory_space<vmem>>, vector<16xf32>,
    %get3A_250 = arith.constant 0 : i32
    %get3A_251 = arith.index_cast %get3A_250 : i32 to index
    %get3A_252 = arith.constant 64 : index
    %get3A_253 = tpu.vector_load %arg11[%get3A_251, %get3A_252] {strides = array<i32>} : memref<4x128xf32, #tpu.memory_space<vmem>>, vector<16xf32>,
    %add3A_254 = arith.addf %get3A_249, %get3A_253 : vector<16xf32>
    %add3A_255 = arith.addf %add3A_254, %get3A_161 : vector<16xf32>
    %neg3A_256 = arith.constant 0.000000e+00 : f32
    %neg3A_257 = vector.broadcast %neg3A_256 : f32 to vector<16xf32>
    %neg3A_258 = arith.subf %neg3A_257, %add3A_255 : vector<16xf32>
    %exp3A_259 = math.exp %neg3A_258 : vector<16xf32>
    %add3A_260 = arith.constant 1.000000e+00 : f32
    %add3A_261 = vector.broadcast %add3A_260 : f32 to vector<16xf32>
    %add3A_262 = arith.addf %add3A_261, %exp3A_259 : vector<16xf32>
    %div3A_263 = arith.constant 1.000000e+00 : f32
    %div3A_264 = vector.broadcast %div3A_263 : f32 to vector<16xf32>
    %div3A_265 = arith.divf %div3A_264, %add3A_262 : vector<16xf32>
    %swap3A_266 = arith.constant 64 : index
    %swap3A_267 = tpu.vector_load %arg13[%swap3A_266] {strides = array<i32>} : memref<512xf32, #tpu.memory_space<vmem>>, vector<16xf32>,
    tpu.vector_store %arg13[%swap3A_266], %div3A_265 {strides = array<i32>} : memref<512xf32, #tpu.memory_space<vmem>>, vector<16xf32>,
    %get3A_268 = arith.constant 0 : i32
    %get3A_269 = arith.index_cast %get3A_268 : i32 to index
    %get3A_270 = arith.constant 80 : index
    %get3A_271 = tpu.vector_load %arg10[%get3A_269, %get3A_270] {strides = array<i32>} : memref<4x128xf32, #tpu.memory_space<vmem>>, vector<16xf32>,
    %get3A_272 = arith.constant 0 : i32
    %get3A_273 = arith.index_cast %get3A_272 : i32 to index
    %get3A_274 = arith.constant 80 : index
    %get3A_275 = tpu.vector_load %arg11[%get3A_273, %get3A_274] {strides = array<i32>} : memref<4x128xf32, #tpu.memory_space<vmem>>, vector<16xf32>,
    %add3A_276 = arith.addf %get3A_271, %get3A_275 : vector<16xf32>
    %add3A_277 = arith.addf %add3A_276, %get3A_161 : vector<16xf32>
    %neg3A_278 = arith.constant 0.000000e+00 : f32
    %neg3A_279 = vector.broadcast %neg3A_278 : f32 to vector<16xf32>
    %neg3A_280 = arith.subf %neg3A_279, %add3A_277 : vector<16xf32>
    %exp3A_281 = math.exp %neg3A_280 : vector<16xf32>
    %add3A_282 = arith.constant 1.000000e+00 : f32
    %add3A_283 = vector.broadcast %add3A_282 : f32 to vector<16xf32>
    %add3A_284 = arith.addf %add3A_283, %exp3A_281 : vector<16xf32>
    %div3A_285 = arith.constant 1.000000e+00 : f32
    %div3A_286 = vector.broadcast %div3A_285 : f32 to vector<16xf32>
    %div3A_287 = arith.divf %div3A_286, %add3A_284 : vector<16xf32>
    %swap3A_288 = arith.constant 80 : index
    %swap3A_289 = tpu.vector_load %arg13[%swap3A_288] {strides = array<i32>} : memref<512xf32, #tpu.memory_space<vmem>>, vector<16xf32>,
    tpu.vector_store %arg13[%swap3A_288], %div3A_287 {strides = array<i32>} : memref<512xf32, #tpu.memory_space<vmem>>, vector<16xf32>,
    %get3A_290 = arith.constant 0 : i32
    %get3A_291 = arith.index_cast %get3A_290 : i32 to index
    %get3A_292 = arith.constant 96 : index
    %get3A_293 = tpu.vector_load %arg10[%get3A_291, %get3A_292] {strides = array<i32>} : memref<4x128xf32, #tpu.memory_space<vmem>>, vector<16xf32>,
    %get3A_294 = arith.constant 0 : i32
    %get3A_295 = arith.index_cast %get3A_294 : i32 to index
    %get3A_296 = arith.constant 96 : index
    %get3A_297 = tpu.vector_load %arg11[%get3A_295, %get3A_296] {strides = array<i32>} : memref<4x128xf32, #tpu.memory_space<vmem>>, vector<16xf32>,
    %add3A_298 = arith.addf %get3A_293, %get3A_297 : vector<16xf32>
    %add3A_299 = arith.addf %add3A_298, %get3A_161 : vector<16xf32>
    %neg3A_300 = arith.constant 0.000000e+00 : f32
    %neg3A_301 = vector.broadcast %neg3A_300 : f32 to vector<16xf32>
    %neg3A_302 = arith.subf %neg3A_301, %add3A_299 : vector<16xf32>
    %exp3A_303 = math.exp %neg3A_302 : vector<16xf32>
    %add3A_304 = arith.constant 1.000000e+00 : f32
    %add3A_305 = vector.broadcast %add3A_304 : f32 to vector<16xf32>
    %add3A_306 = arith.addf %add3A_305, %exp3A_303 : vector<16xf32>
    %div3A_307 = arith.constant 1.000000e+00 : f32
    %div3A_308 = vector.broadcast %div3A_307 : f32 to vector<16xf32>
    %div3A_309 = arith.divf %div3A_308, %add3A_306 : vector<16xf32>
    %swap3A_310 = arith.constant 96 : index
    %swap3A_311 = tpu.vector_load %arg13[%swap3A_310] {strides = array<i32>} : memref<512xf32, #tpu.memory_space<vmem>>, vector<16xf32>,
    tpu.vector_store %arg13[%swap3A_310], %div3A_309 {strides = array<i32>} : memref<512xf32, #tpu.memory_space<vmem>>, vector<16xf32>,
    %get3A_312 = arith.constant 0 : i32
    %get3A_313 = arith.index_cast %get3A_312 : i32 to index
    %get3A_314 = arith.constant 112 : index
    %get3A_315 = tpu.vector_load %arg10[%get3A_313, %get3A_314] {strides = array<i32>} : memref<4x128xf32, #tpu.memory_space<vmem>>, vector<16xf32>,
    %get3A_316 = arith.constant 0 : i32
    %get3A_317 = arith.index_cast %get3A_316 : i32 to index
    %get3A_318 = arith.constant 112 : index
    %get3A_319 = tpu.vector_load %arg11[%get3A_317, %get3A_318] {strides = array<i32>} : memref<4x128xf32, #tpu.memory_space<vmem>>, vector<16xf32>,
    %add3A_320 = arith.addf %get3A_315, %get3A_319 : vector<16xf32>
    %add3A_321 = arith.addf %add3A_320, %get3A_161 : vector<16xf32>
    %neg3A_322 = arith.constant 0.000000e+00 : f32
    %neg3A_323 = vector.broadcast %neg3A_322 : f32 to vector<16xf32>
    %neg3A_324 = arith.subf %neg3A_323, %add3A_321 : vector<16xf32>
    %exp3A_325 = math.exp %neg3A_324 : vector<16xf32>
    %add3A_326 = arith.constant 1.000000e+00 : f32
    %add3A_327 = vector.broadcast %add3A_326 : f32 to vector<16xf32>
    %add3A_328 = arith.addf %add3A_327, %exp3A_325 : vector<16xf32>
    %div3A_329 = arith.constant 1.000000e+00 : f32
    %div3A_330 = vector.broadcast %div3A_329 : f32 to vector<16xf32>
    %div3A_331 = arith.divf %div3A_330, %add3A_328 : vector<16xf32>
    %swap3A_332 = arith.constant 112 : index
    %swap3A_333 = tpu.vector_load %arg13[%swap3A_332] {strides = array<i32>} : memref<512xf32, #tpu.memory_space<vmem>>, vector<16xf32>,
    tpu.vector_store %arg13[%swap3A_332], %div3A_331 {strides = array<i32>} : memref<512xf32, #tpu.memory_space<vmem>>, vector<16xf32>,
    %get3A_334 = arith.constant 1 : i32
    %get3A_335 = arith.index_cast %get3A_334 : i32 to index
    %get3A_336 = arith.constant 0 : index
    %get3A_337 = tpu.vector_load %arg10[%get3A_335, %get3A_336] {strides = array<i32>} : memref<4x128xf32, #tpu.memory_space<vmem>>, vector<16xf32>,
    %get3A_338 = arith.constant 1 : i32
    %get3A_339 = arith.index_cast %get3A_338 : i32 to index
    %get3A_340 = arith.constant 0 : index
    %get3A_341 = tpu.vector_load %arg11[%get3A_339, %get3A_340] {strides = array<i32>} : memref<4x128xf32, #tpu.memory_space<vmem>>, vector<16xf32>,
    %add3A_342 = arith.addf %get3A_337, %get3A_341 : vector<16xf32>
    %add3A_343 = arith.addf %add3A_342, %get3A_161 : vector<16xf32>
    %neg3A_344 = arith.constant 0.000000e+00 : f32
    %neg3A_345 = vector.broadcast %neg3A_344 : f32 to vector<16xf32>
    %neg3A_346 = arith.subf %neg3A_345, %add3A_343 : vector<16xf32>
    %exp3A_347 = math.exp %neg3A_346 : vector<16xf32>
    %add3A_348 = arith.constant 1.000000e+00 : f32
    %add3A_349 = vector.broadcast %add3A_348 : f32 to vector<16xf32>
    %add3A_350 = arith.addf %add3A_349, %exp3A_347 : vector<16xf32>
    %div3A_351 = arith.constant 1.000000e+00 : f32
    %div3A_352 = vector.broadcast %div3A_351 : f32 to vector<16xf32>
    %div3A_353 = arith.divf %div3A_352, %add3A_350 : vector<16xf32>
    %swap3A_354 = arith.constant 128 : index
    %swap3A_355 = tpu.vector_load %arg13[%swap3A_354] {strides = array<i32>} : memref<512xf32, #tpu.memory_space<vmem>>, vector<16xf32>,
    tpu.vector_store %arg13[%swap3A_354], %div3A_353 {strides = array<i32>} : memref<512xf32, #tpu.memory_space<vmem>>, vector<16xf32>,
    %get3A_356 = arith.constant 1 : i32
    %get3A_357 = arith.index_cast %get3A_356 : i32 to index
    %get3A_358 = arith.constant 16 : index
    %get3A_359 = tpu.vector_load %arg10[%get3A_357, %get3A_358] {strides = array<i32>} : memref<4x128xf32, #tpu.memory_space<vmem>>, vector<16xf32>,
    %get3A_360 = arith.constant 1 : i32
    %get3A_361 = arith.index_cast %get3A_360 : i32 to index
    %get3A_362 = arith.constant 16 : index
    %get3A_363 = tpu.vector_load %arg11[%get3A_361, %get3A_362] {strides = array<i32>} : memref<4x128xf32, #tpu.memory_space<vmem>>, vector<16xf32>,
    %add3A_364 = arith.addf %get3A_359, %get3A_363 : vector<16xf32>
    %add3A_365 = arith.addf %add3A_364, %get3A_161 : vector<16xf32>
    %neg3A_366 = arith.constant 0.000000e+00 : f32
    %neg3A_367 = vector.broadcast %neg3A_366 : f32 to vector<16xf32>
    %neg3A_368 = arith.subf %neg3A_367, %add3A_365 : vector<16xf32>
    %exp3A_369 = math.exp %neg3A_368 : vector<16xf32>
    %add3A_370 = arith.constant 1.000000e+00 : f32
    %add3A_371 = vector.broadcast %add3A_370 : f32 to vector<16xf32>
    %add3A_372 = arith.addf %add3A_371, %exp3A_369 : vector<16xf32>
    %div3A_373 = arith.constant 1.000000e+00 : f32
    %div3A_374 = vector.broadcast %div3A_373 : f32 to vector<16xf32>
    %div3A_375 = arith.divf %div3A_374, %add3A_372 : vector<16xf32>
    %swap3A_376 = arith.constant 144 : index
    %swap3A_377 = tpu.vector_load %arg13[%swap3A_376] {strides = array<i32>} : memref<512xf32, #tpu.memory_space<vmem>>, vector<16xf32>,
    tpu.vector_store %arg13[%swap3A_376], %div3A_375 {strides = array<i32>} : memref<512xf32, #tpu.memory_space<vmem>>, vector<16xf32>,
    %get3A_378 = arith.constant 1 : i32
    %get3A_379 = arith.index_cast %get3A_378 : i32 to index
    %get3A_380 = arith.constant 32 : index
    %get3A_381 = tpu.vector_load %arg10[%get3A_379, %get3A_380] {strides = array<i32>} : memref<4x128xf32, #tpu.memory_space<vmem>>, vector<16xf32>,
    %get3A_382 = arith.constant 1 : i32
    %get3A_383 = arith.index_cast %get3A_382 : i32 to index
    %get3A_384 = arith.constant 32 : index
    %get3A_385 = tpu.vector_load %arg11[%get3A_383, %get3A_384] {strides = array<i32>} : memref<4x128xf32, #tpu.memory_space<vmem>>, vector<16xf32>,
    %add3A_386 = arith.addf %get3A_381, %get3A_385 : vector<16xf32>
    %add3A_387 = arith.addf %add3A_386, %get3A_161 : vector<16xf32>
    %neg3A_388 = arith.constant 0.000000e+00 : f32
    %neg3A_389 = vector.broadcast %neg3A_388 : f32 to vector<16xf32>
    %neg3A_390 = arith.subf %neg3A_389, %add3A_387 : vector<16xf32>
    %exp3A_391 = math.exp %neg3A_390 : vector<16xf32>
    %add3A_392 = arith.constant 1.000000e+00 : f32
    %add3A_393 = vector.broadcast %add3A_392 : f32 to vector<16xf32>
    %add3A_394 = arith.addf %add3A_393, %exp3A_391 : vector<16xf32>
    %div3A_395 = arith.constant 1.000000e+00 : f32
    %div3A_396 = vector.broadcast %div3A_395 : f32 to vector<16xf32>
    %div3A_397 = arith.divf %div3A_396, %add3A_394 : vector<16xf32>
    %swap3A_398 = arith.constant 160 : index
    %swap3A_399 = tpu.vector_load %arg13[%swap3A_398] {strides = array<i32>} : memref<512xf32, #tpu.memory_space<vmem>>, vector<16xf32>,
    tpu.vector_store %arg13[%swap3A_398], %div3A_397 {strides = array<i32>} : memref<512xf32, #tpu.memory_space<vmem>>, vector<16xf32>,
    %get3A_400 = arith.constant 1 : i32
    %get3A_401 = arith.index_cast %get3A_400 : i32 to index
    %get3A_402 = arith.constant 48 : index
    %get3A_403 = tpu.vector_load %arg10[%get3A_401, %get3A_402] {strides = array<i32>} : memref<4x128xf32, #tpu.memory_space<vmem>>, vector<16xf32>,
    %get3A_404 = arith.constant 1 : i32
    %get3A_405 = arith.index_cast %get3A_404 : i32 to index
    %get3A_406 = arith.constant 48 : index
    %get3A_407 = tpu.vector_load %arg11[%get3A_405, %get3A_406] {strides = array<i32>} : memref<4x128xf32, #tpu.memory_space<vmem>>, vector<16xf32>,
    %add3A_408 = arith.addf %get3A_403, %get3A_407 : vector<16xf32>
    %add3A_409 = arith.addf %add3A_408, %get3A_161 : vector<16xf32>
    %neg3A_410 = arith.constant 0.000000e+00 : f32
    %neg3A_411 = vector.broadcast %neg3A_410 : f32 to vector<16xf32>
    %neg3A_412 = arith.subf %neg3A_411, %add3A_409 : vector<16xf32>
    %exp3A_413 = math.exp %neg3A_412 : vector<16xf32>
    %add3A_414 = arith.constant 1.000000e+00 : f32
    %add3A_415 = vector.broadcast %add3A_414 : f32 to vector<16xf32>
    %add3A_416 = arith.addf %add3A_415, %exp3A_413 : vector<16xf32>
    %div3A_417 = arith.constant 1.000000e+00 : f32
    %div3A_418 = vector.broadcast %div3A_417 : f32 to vector<16xf32>
    %div3A_419 = arith.divf %div3A_418, %add3A_416 : vector<16xf32>
    %swap3A_420 = arith.constant 176 : index
    %swap3A_421 = tpu.vector_load %arg13[%swap3A_420] {strides = array<i32>} : memref<512xf32, #tpu.memory_space<vmem>>, vector<16xf32>,
    tpu.vector_store %arg13[%swap3A_420], %div3A_419 {strides = array<i32>} : memref<512xf32, #tpu.memory_space<vmem>>, vector<16xf32>,
    %get3A_422 = arith.constant 1 : i32
    %get3A_423 = arith.index_cast %get3A_422 : i32 to index
    %get3A_424 = arith.constant 64 : index
    %get3A_425 = tpu.vector_load %arg10[%get3A_423, %get3A_424] {strides = array<i32>} : memref<4x128xf32, #tpu.memory_space<vmem>>, vector<16xf32>,
    %get3A_426 = arith.constant 1 : i32
    %get3A_427 = arith.index_cast %get3A_426 : i32 to index
    %get3A_428 = arith.constant 64 : index
    %get3A_429 = tpu.vector_load %arg11[%get3A_427, %get3A_428] {strides = array<i32>} : memref<4x128xf32, #tpu.memory_space<vmem>>, vector<16xf32>,
    %add3A_430 = arith.addf %get3A_425, %get3A_429 : vector<16xf32>
    %add3A_431 = arith.addf %add3A_430, %get3A_161 : vector<16xf32>
    %neg3A_432 = arith.constant 0.000000e+00 : f32
    %neg3A_433 = vector.broadcast %neg3A_432 : f32 to vector<16xf32>
    %neg3A_434 = arith.subf %neg3A_433, %add3A_431 : vector<16xf32>
    %exp3A_435 = math.exp %neg3A_434 : vector<16xf32>
    %add3A_436 = arith.constant 1.000000e+00 : f32
    %add3A_437 = vector.broadcast %add3A_436 : f32 to vector<16xf32>
    %add3A_438 = arith.addf %add3A_437, %exp3A_435 : vector<16xf32>
    %div3A_439 = arith.constant 1.000000e+00 : f32
    %div3A_440 = vector.broadcast %div3A_439 : f32 to vector<16xf32>
    %div3A_441 = arith.divf %div3A_440, %add3A_438 : vector<16xf32>
    %swap3A_442 = arith.constant 192 : index
    %swap3A_443 = tpu.vector_load %arg13[%swap3A_442] {strides = array<i32>} : memref<512xf32, #tpu.memory_space<vmem>>, vector<16xf32>,
    tpu.vector_store %arg13[%swap3A_442], %div3A_441 {strides = array<i32>} : memref<512xf32, #tpu.memory_space<vmem>>, vector<16xf32>,
    %get3A_444 = arith.constant 1 : i32
    %get3A_445 = arith.index_cast %get3A_444 : i32 to index
    %get3A_446 = arith.constant 80 : index
    %get3A_447 = tpu.vector_load %arg10[%get3A_445, %get3A_446] {strides = array<i32>} : memref<4x128xf32, #tpu.memory_space<vmem>>, vector<16xf32>,
    %get3A_448 = arith.constant 1 : i32
    %get3A_449 = arith.index_cast %get3A_448 : i32 to index
    %get3A_450 = arith.constant 80 : index
    %get3A_451 = tpu.vector_load %arg11[%get3A_449, %get3A_450] {strides = array<i32>} : memref<4x128xf32, #tpu.memory_space<vmem>>, vector<16xf32>,
    %add3A_452 = arith.addf %get3A_447, %get3A_451 : vector<16xf32>
    %add3A_453 = arith.addf %add3A_452, %get3A_161 : vector<16xf32>
    %neg3A_454 = arith.constant 0.000000e+00 : f32
    %neg3A_455 = vector.broadcast %neg3A_454 : f32 to vector<16xf32>
    %neg3A_456 = arith.subf %neg3A_455, %add3A_453 : vector<16xf32>
    %exp3A_457 = math.exp %neg3A_456 : vector<16xf32>
    %add3A_458 = arith.constant 1.000000e+00 : f32
    %add3A_459 = vector.broadcast %add3A_458 : f32 to vector<16xf32>
    %add3A_460 = arith.addf %add3A_459, %exp3A_457 : vector<16xf32>
    %div3A_461 = arith.constant 1.000000e+00 : f32
    %div3A_462 = vector.broadcast %div3A_461 : f32 to vector<16xf32>
    %div3A_463 = arith.divf %div3A_462, %add3A_460 : vector<16xf32>
    %swap3A_464 = arith.constant 208 : index
    %swap3A_465 = tpu.vector_load %arg13[%swap3A_464] {strides = array<i32>} : memref<512xf32, #tpu.memory_space<vmem>>, vector<16xf32>,
    tpu.vector_store %arg13[%swap3A_464], %div3A_463 {strides = array<i32>} : memref<512xf32, #tpu.memory_space<vmem>>, vector<16xf32>,
    %get3A_466 = arith.constant 1 : i32
    %get3A_467 = arith.index_cast %get3A_466 : i32 to index
    %get3A_468 = arith.constant 96 : index
    %get3A_469 = tpu.vector_load %arg10[%get3A_467, %get3A_468] {strides = array<i32>} : memref<4x128xf32, #tpu.memory_space<vmem>>, vector<16xf32>,
    %get3A_470 = arith.constant 1 : i32
    %get3A_471 = arith.index_cast %get3A_470 : i32 to index
    %get3A_472 = arith.constant 96 : index
    %get3A_473 = tpu.vector_load %arg11[%get3A_471, %get3A_472] {strides = array<i32>} : memref<4x128xf32, #tpu.memory_space<vmem>>, vector<16xf32>,
    %add3A_474 = arith.addf %get3A_469, %get3A_473 : vector<16xf32>
    %add3A_475 = arith.addf %add3A_474, %get3A_161 : vector<16xf32>
    %neg3A_476 = arith.constant 0.000000e+00 : f32
    %neg3A_477 = vector.broadcast %neg3A_476 : f32 to vector<16xf32>
    %neg3A_478 = arith.subf %neg3A_477, %add3A_475 : vector<16xf32>
    %exp3A_479 = math.exp %neg3A_478 : vector<16xf32>
    %add3A_480 = arith.constant 1.000000e+00 : f32
    %add3A_481 = vector.broadcast %add3A_480 : f32 to vector<16xf32>
    %add3A_482 = arith.addf %add3A_481, %exp3A_479 : vector<16xf32>
    %div3A_483 = arith.constant 1.000000e+00 : f32
    %div3A_484 = vector.broadcast %div3A_483 : f32 to vector<16xf32>
    %div3A_485 = arith.divf %div3A_484, %add3A_482 : vector<16xf32>
    %swap3A_486 = arith.constant 224 : index
    %swap3A_487 = tpu.vector_load %arg13[%swap3A_486] {strides = array<i32>} : memref<512xf32, #tpu.memory_space<vmem>>, vector<16xf32>,
    tpu.vector_store %arg13[%swap3A_486], %div3A_485 {strides = array<i32>} : memref<512xf32, #tpu.memory_space<vmem>>, vector<16xf32>,
    %get3A_488 = arith.constant 1 : i32
    %get3A_489 = arith.index_cast %get3A_488 : i32 to index
    %get3A_490 = arith.constant 112 : index
    %get3A_491 = tpu.vector_load %arg10[%get3A_489, %get3A_490] {strides = array<i32>} : memref<4x128xf32, #tpu.memory_space<vmem>>, vector<16xf32>,
    %get3A_492 = arith.constant 1 : i32
    %get3A_493 = arith.index_cast %get3A_492 : i32 to index
    %get3A_494 = arith.constant 112 : index
    %get3A_495 = tpu.vector_load %arg11[%get3A_493, %get3A_494] {strides = array<i32>} : memref<4x128xf32, #tpu.memory_space<vmem>>, vector<16xf32>,
    %add3A_496 = arith.addf %get3A_491, %get3A_495 : vector<16xf32>
    %add3A_497 = arith.addf %add3A_496, %get3A_161 : vector<16xf32>
    %neg3A_498 = arith.constant 0.000000e+00 : f32
    %neg3A_499 = vector.broadcast %neg3A_498 : f32 to vector<16xf32>
    %neg3A_500 = arith.subf %neg3A_499, %add3A_497 : vector<16xf32>
    %exp3A_501 = math.exp %neg3A_500 : vector<16xf32>
    %add3A_502 = arith.constant 1.000000e+00 : f32
    %add3A_503 = vector.broadcast %add3A_502 : f32 to vector<16xf32>
    %add3A_504 = arith.addf %add3A_503, %exp3A_501 : vector<16xf32>
    %div3A_505 = arith.constant 1.000000e+00 : f32
    %div3A_506 = vector.broadcast %div3A_505 : f32 to vector<16xf32>
    %div3A_507 = arith.divf %div3A_506, %add3A_504 : vector<16xf32>
    %swap3A_508 = arith.constant 240 : index
    %swap3A_509 = tpu.vector_load %arg13[%swap3A_508] {strides = array<i32>} : memref<512xf32, #tpu.memory_space<vmem>>, vector<16xf32>,
    tpu.vector_store %arg13[%swap3A_508], %div3A_507 {strides = array<i32>} : memref<512xf32, #tpu.memory_space<vmem>>, vector<16xf32>,
    %get3A_510 = arith.constant 2 : i32
    %get3A_511 = arith.index_cast %get3A_510 : i32 to index
    %get3A_512 = arith.constant 0 : index
    %get3A_513 = tpu.vector_load %arg10[%get3A_511, %get3A_512] {strides = array<i32>} : memref<4x128xf32, #tpu.memory_space<vmem>>, vector<16xf32>,
    %get3A_514 = arith.constant 2 : i32
    %get3A_515 = arith.index_cast %get3A_514 : i32 to index
    %get3A_516 = arith.constant 0 : index
    %get3A_517 = tpu.vector_load %arg11[%get3A_515, %get3A_516] {strides = array<i32>} : memref<4x128xf32, #tpu.memory_space<vmem>>, vector<16xf32>,
    %add3A_518 = arith.addf %get3A_513, %get3A_517 : vector<16xf32>
    %add3A_519 = arith.addf %add3A_518, %get3A_161 : vector<16xf32>
    %neg3A_520 = arith.constant 0.000000e+00 : f32
    %neg3A_521 = vector.broadcast %neg3A_520 : f32 to vector<16xf32>
    %neg3A_522 = arith.subf %neg3A_521, %add3A_519 : vector<16xf32>
    %exp3A_523 = math.exp %neg3A_522 : vector<16xf32>
    %add3A_524 = arith.constant 1.000000e+00 : f32
    %add3A_525 = vector.broadcast %add3A_524 : f32 to vector<16xf32>
    %add3A_526 = arith.addf %add3A_525, %exp3A_523 : vector<16xf32>
    %div3A_527 = arith.constant 1.000000e+00 : f32
    %div3A_528 = vector.broadcast %div3A_527 : f32 to vector<16xf32>
    %div3A_529 = arith.divf %div3A_528, %add3A_526 : vector<16xf32>
    %swap3A_530 = arith.constant 256 : index
    %swap3A_531 = tpu.vector_load %arg13[%swap3A_530] {strides = array<i32>} : memref<512xf32, #tpu.memory_space<vmem>>, vector<16xf32>,
    tpu.vector_store %arg13[%swap3A_530], %div3A_529 {strides = array<i32>} : memref<512xf32, #tpu.memory_space<vmem>>, vector<16xf32>,
    %get3A_532 = arith.constant 2 : i32
    %get3A_533 = arith.index_cast %get3A_532 : i32 to index
    %get3A_534 = arith.constant 16 : index
    %get3A_535 = tpu.vector_load %arg10[%get3A_533, %get3A_534] {strides = array<i32>} : memref<4x128xf32, #tpu.memory_space<vmem>>, vector<16xf32>,
    %get3A_536 = arith.constant 2 : i32
    %get3A_537 = arith.index_cast %get3A_536 : i32 to index
    %get3A_538 = arith.constant 16 : index
    %get3A_539 = tpu.vector_load %arg11[%get3A_537, %get3A_538] {strides = array<i32>} : memref<4x128xf32, #tpu.memory_space<vmem>>, vector<16xf32>,
    %add3A_540 = arith.addf %get3A_535, %get3A_539 : vector<16xf32>
    %add3A_541 = arith.addf %add3A_540, %get3A_161 : vector<16xf32>
    %neg3A_542 = arith.constant 0.000000e+00 : f32
    %neg3A_543 = vector.broadcast %neg3A_542 : f32 to vector<16xf32>
    %neg3A_544 = arith.subf %neg3A_543, %add3A_541 : vector<16xf32>
    %exp3A_545 = math.exp %neg3A_544 : vector<16xf32>
    %add3A_546 = arith.constant 1.000000e+00 : f32
    %add3A_547 = vector.broadcast %add3A_546 : f32 to vector<16xf32>
    %add3A_548 = arith.addf %add3A_547, %exp3A_545 : vector<16xf32>
    %div3A_549 = arith.constant 1.000000e+00 : f32
    %div3A_550 = vector.broadcast %div3A_549 : f32 to vector<16xf32>
    %div3A_551 = arith.divf %div3A_550, %add3A_548 : vector<16xf32>
    %swap3A_552 = arith.constant 272 : index
    %swap3A_553 = tpu.vector_load %arg13[%swap3A_552] {strides = array<i32>} : memref<512xf32, #tpu.memory_space<vmem>>, vector<16xf32>,
    tpu.vector_store %arg13[%swap3A_552], %div3A_551 {strides = array<i32>} : memref<512xf32, #tpu.memory_space<vmem>>, vector<16xf32>,
    %get3A_554 = arith.constant 2 : i32
    %get3A_555 = arith.index_cast %get3A_554 : i32 to index
    %get3A_556 = arith.constant 32 : index
    %get3A_557 = tpu.vector_load %arg10[%get3A_555, %get3A_556] {strides = array<i32>} : memref<4x128xf32, #tpu.memory_space<vmem>>, vector<16xf32>,
    %get3A_558 = arith.constant 2 : i32
    %get3A_559 = arith.index_cast %get3A_558 : i32 to index
    %get3A_560 = arith.constant 32 : index
    %get3A_561 = tpu.vector_load %arg11[%get3A_559, %get3A_560] {strides = array<i32>} : memref<4x128xf32, #tpu.memory_space<vmem>>, vector<16xf32>,
    %add3A_562 = arith.addf %get3A_557, %get3A_561 : vector<16xf32>
    %add3A_563 = arith.addf %add3A_562, %get3A_161 : vector<16xf32>
    %neg3A_564 = arith.constant 0.000000e+00 : f32
    %neg3A_565 = vector.broadcast %neg3A_564 : f32 to vector<16xf32>
    %neg3A_566 = arith.subf %neg3A_565, %add3A_563 : vector<16xf32>
    %exp3A_567 = math.exp %neg3A_566 : vector<16xf32>
    %add3A_568 = arith.constant 1.000000e+00 : f32
    %add3A_569 = vector.broadcast %add3A_568 : f32 to vector<16xf32>
    %add3A_570 = arith.addf %add3A_569, %exp3A_567 : vector<16xf32>
    %div3A_571 = arith.constant 1.000000e+00 : f32
    %div3A_572 = vector.broadcast %div3A_571 : f32 to vector<16xf32>
    %div3A_573 = arith.divf %div3A_572, %add3A_570 : vector<16xf32>
    %swap3A_574 = arith.constant 288 : index
    %swap3A_575 = tpu.vector_load %arg13[%swap3A_574] {strides = array<i32>} : memref<512xf32, #tpu.memory_space<vmem>>, vector<16xf32>,
    tpu.vector_store %arg13[%swap3A_574], %div3A_573 {strides = array<i32>} : memref<512xf32, #tpu.memory_space<vmem>>, vector<16xf32>,
    %get3A_576 = arith.constant 2 : i32
    %get3A_577 = arith.index_cast %get3A_576 : i32 to index
    %get3A_578 = arith.constant 48 : index
    %get3A_579 = tpu.vector_load %arg10[%get3A_577, %get3A_578] {strides = array<i32>} : memref<4x128xf32, #tpu.memory_space<vmem>>, vector<16xf32>,
    %get3A_580 = arith.constant 2 : i32
    %get3A_581 = arith.index_cast %get3A_580 : i32 to index
    %get3A_582 = arith.constant 48 : index
    %get3A_583 = tpu.vector_load %arg11[%get3A_581, %get3A_582] {strides = array<i32>} : memref<4x128xf32, #tpu.memory_space<vmem>>, vector<16xf32>,
    %add3A_584 = arith.addf %get3A_579, %get3A_583 : vector<16xf32>
    %add3A_585 = arith.addf %add3A_584, %get3A_161 : vector<16xf32>
    %neg3A_586 = arith.constant 0.000000e+00 : f32
    %neg3A_587 = vector.broadcast %neg3A_586 : f32 to vector<16xf32>
    %neg3A_588 = arith.subf %neg3A_587, %add3A_585 : vector<16xf32>
    %exp3A_589 = math.exp %neg3A_588 : vector<16xf32>
    %add3A_590 = arith.constant 1.000000e+00 : f32
    %add3A_591 = vector.broadcast %add3A_590 : f32 to vector<16xf32>
    %add3A_592 = arith.addf %add3A_591, %exp3A_589 : vector<16xf32>
    %div3A_593 = arith.constant 1.000000e+00 : f32
    %div3A_594 = vector.broadcast %div3A_593 : f32 to vector<16xf32>
    %div3A_595 = arith.divf %div3A_594, %add3A_592 : vector<16xf32>
    %swap3A_596 = arith.constant 304 : index
    %swap3A_597 = tpu.vector_load %arg13[%swap3A_596] {strides = array<i32>} : memref<512xf32, #tpu.memory_space<vmem>>, vector<16xf32>,
    tpu.vector_store %arg13[%swap3A_596], %div3A_595 {strides = array<i32>} : memref<512xf32, #tpu.memory_space<vmem>>, vector<16xf32>,
    %get3A_598 = arith.constant 2 : i32
    %get3A_599 = arith.index_cast %get3A_598 : i32 to index
    %get3A_600 = arith.constant 64 : index
    %get3A_601 = tpu.vector_load %arg10[%get3A_599, %get3A_600] {strides = array<i32>} : memref<4x128xf32, #tpu.memory_space<vmem>>, vector<16xf32>,
    %get3A_602 = arith.constant 2 : i32
    %get3A_603 = arith.index_cast %get3A_602 : i32 to index
    %get3A_604 = arith.constant 64 : index
    %get3A_605 = tpu.vector_load %arg11[%get3A_603, %get3A_604] {strides = array<i32>} : memref<4x128xf32, #tpu.memory_space<vmem>>, vector<16xf32>,
    %add3A_606 = arith.addf %get3A_601, %get3A_605 : vector<16xf32>
    %add3A_607 = arith.addf %add3A_606, %get3A_161 : vector<16xf32>
    %neg3A_608 = arith.constant 0.000000e+00 : f32
    %neg3A_609 = vector.broadcast %neg3A_608 : f32 to vector<16xf32>
    %neg3A_610 = arith.subf %neg3A_609, %add3A_607 : vector<16xf32>
    %exp3A_611 = math.exp %neg3A_610 : vector<16xf32>
    %add3A_612 = arith.constant 1.000000e+00 : f32
    %add3A_613 = vector.broadcast %add3A_612 : f32 to vector<16xf32>
    %add3A_614 = arith.addf %add3A_613, %exp3A_611 : vector<16xf32>
    %div3A_615 = arith.constant 1.000000e+00 : f32
    %div3A_616 = vector.broadcast %div3A_615 : f32 to vector<16xf32>
    %div3A_617 = arith.divf %div3A_616, %add3A_614 : vector<16xf32>
    %swap3A_618 = arith.constant 320 : index
    %swap3A_619 = tpu.vector_load %arg13[%swap3A_618] {strides = array<i32>} : memref<512xf32, #tpu.memory_space<vmem>>, vector<16xf32>,
    tpu.vector_store %arg13[%swap3A_618], %div3A_617 {strides = array<i32>} : memref<512xf32, #tpu.memory_space<vmem>>, vector<16xf32>,
    %get3A_620 = arith.constant 2 : i32
    %get3A_621 = arith.index_cast %get3A_620 : i32 to index
    %get3A_622 = arith.constant 80 : index
    %get3A_623 = tpu.vector_load %arg10[%get3A_621, %get3A_622] {strides = array<i32>} : memref<4x128xf32, #tpu.memory_space<vmem>>, vector<16xf32>,
    %get3A_624 = arith.constant 2 : i32
    %get3A_625 = arith.index_cast %get3A_624 : i32 to index
    %get3A_626 = arith.constant 80 : index
    %get3A_627 = tpu.vector_load %arg11[%get3A_625, %get3A_626] {strides = array<i32>} : memref<4x128xf32, #tpu.memory_space<vmem>>, vector<16xf32>,
    %add3A_628 = arith.addf %get3A_623, %get3A_627 : vector<16xf32>
    %add3A_629 = arith.addf %add3A_628, %get3A_161 : vector<16xf32>
    %neg3A_630 = arith.constant 0.000000e+00 : f32
    %neg3A_631 = vector.broadcast %neg3A_630 : f32 to vector<16xf32>
    %neg3A_632 = arith.subf %neg3A_631, %add3A_629 : vector<16xf32>
    %exp3A_633 = math.exp %neg3A_632 : vector<16xf32>
    %add3A_634 = arith.constant 1.000000e+00 : f32
    %add3A_635 = vector.broadcast %add3A_634 : f32 to vector<16xf32>
    %add3A_636 = arith.addf %add3A_635, %exp3A_633 : vector<16xf32>
    %div3A_637 = arith.constant 1.000000e+00 : f32
    %div3A_638 = vector.broadcast %div3A_637 : f32 to vector<16xf32>
    %div3A_639 = arith.divf %div3A_638, %add3A_636 : vector<16xf32>
    %swap3A_640 = arith.constant 336 : index
    %swap3A_641 = tpu.vector_load %arg13[%swap3A_640] {strides = array<i32>} : memref<512xf32, #tpu.memory_space<vmem>>, vector<16xf32>,
    tpu.vector_store %arg13[%swap3A_640], %div3A_639 {strides = array<i32>} : memref<512xf32, #tpu.memory_space<vmem>>, vector<16xf32>,
    %get3A_642 = arith.constant 2 : i32
    %get3A_643 = arith.index_cast %get3A_642 : i32 to index
    %get3A_644 = arith.constant 96 : index
    %get3A_645 = tpu.vector_load %arg10[%get3A_643, %get3A_644] {strides = array<i32>} : memref<4x128xf32, #tpu.memory_space<vmem>>, vector<16xf32>,
    %get3A_646 = arith.constant 2 : i32
    %get3A_647 = arith.index_cast %get3A_646 : i32 to index
    %get3A_648 = arith.constant 96 : index
    %get3A_649 = tpu.vector_load %arg11[%get3A_647, %get3A_648] {strides = array<i32>} : memref<4x128xf32, #tpu.memory_space<vmem>>, vector<16xf32>,
    %add3A_650 = arith.addf %get3A_645, %get3A_649 : vector<16xf32>
    %add3A_651 = arith.addf %add3A_650, %get3A_161 : vector<16xf32>
    %neg3A_652 = arith.constant 0.000000e+00 : f32
    %neg3A_653 = vector.broadcast %neg3A_652 : f32 to vector<16xf32>
    %neg3A_654 = arith.subf %neg3A_653, %add3A_651 : vector<16xf32>
    %exp3A_655 = math.exp %neg3A_654 : vector<16xf32>
    %add3A_656 = arith.constant 1.000000e+00 : f32
    %add3A_657 = vector.broadcast %add3A_656 : f32 to vector<16xf32>
    %add3A_658 = arith.addf %add3A_657, %exp3A_655 : vector<16xf32>
    %div3A_659 = arith.constant 1.000000e+00 : f32
    %div3A_660 = vector.broadcast %div3A_659 : f32 to vector<16xf32>
    %div3A_661 = arith.divf %div3A_660, %add3A_658 : vector<16xf32>
    %swap3A_662 = arith.constant 352 : index
    %swap3A_663 = tpu.vector_load %arg13[%swap3A_662] {strides = array<i32>} : memref<512xf32, #tpu.memory_space<vmem>>, vector<16xf32>,
    tpu.vector_store %arg13[%swap3A_662], %div3A_661 {strides = array<i32>} : memref<512xf32, #tpu.memory_space<vmem>>, vector<16xf32>,
    %get3A_664 = arith.constant 2 : i32
    %get3A_665 = arith.index_cast %get3A_664 : i32 to index
    %get3A_666 = arith.constant 112 : index
    %get3A_667 = tpu.vector_load %arg10[%get3A_665, %get3A_666] {strides = array<i32>} : memref<4x128xf32, #tpu.memory_space<vmem>>, vector<16xf32>,
    %get3A_668 = arith.constant 2 : i32
    %get3A_669 = arith.index_cast %get3A_668 : i32 to index
    %get3A_670 = arith.constant 112 : index
    %get3A_671 = tpu.vector_load %arg11[%get3A_669, %get3A_670] {strides = array<i32>} : memref<4x128xf32, #tpu.memory_space<vmem>>, vector<16xf32>,
    %add3A_672 = arith.addf %get3A_667, %get3A_671 : vector<16xf32>
    %add3A_673 = arith.addf %add3A_672, %get3A_161 : vector<16xf32>
    %neg3A_674 = arith.constant 0.000000e+00 : f32
    %neg3A_675 = vector.broadcast %neg3A_674 : f32 to vector<16xf32>
    %neg3A_676 = arith.subf %neg3A_675, %add3A_673 : vector<16xf32>
    %exp3A_677 = math.exp %neg3A_676 : vector<16xf32>
    %add3A_678 = arith.constant 1.000000e+00 : f32
    %add3A_679 = vector.broadcast %add3A_678 : f32 to vector<16xf32>
    %add3A_680 = arith.addf %add3A_679, %exp3A_677 : vector<16xf32>
    %div3A_681 = arith.constant 1.000000e+00 : f32
    %div3A_682 = vector.broadcast %div3A_681 : f32 to vector<16xf32>
    %div3A_683 = arith.divf %div3A_682, %add3A_680 : vector<16xf32>
    %swap3A_684 = arith.constant 368 : index
    %swap3A_685 = tpu.vector_load %arg13[%swap3A_684] {strides = array<i32>} : memref<512xf32, #tpu.memory_space<vmem>>, vector<16xf32>,
    tpu.vector_store %arg13[%swap3A_684], %div3A_683 {strides = array<i32>} : memref<512xf32, #tpu.memory_space<vmem>>, vector<16xf32>,
    %get3A_686 = arith.constant 3 : i32
    %get3A_687 = arith.index_cast %get3A_686 : i32 to index
    %get3A_688 = arith.constant 0 : index
    %get3A_689 = tpu.vector_load %arg10[%get3A_687, %get3A_688] {strides = array<i32>} : memref<4x128xf32, #tpu.memory_space<vmem>>, vector<16xf32>,
    %get3A_690 = arith.constant 3 : i32
    %get3A_691 = arith.index_cast %get3A_690 : i32 to index
    %get3A_692 = arith.constant 0 : index
    %get3A_693 = tpu.vector_load %arg11[%get3A_691, %get3A_692] {strides = array<i32>} : memref<4x128xf32, #tpu.memory_space<vmem>>, vector<16xf32>,
    %add3A_694 = arith.addf %get3A_689, %get3A_693 : vector<16xf32>
    %add3A_695 = arith.addf %add3A_694, %get3A_161 : vector<16xf32>
    %neg3A_696 = arith.constant 0.000000e+00 : f32
    %neg3A_697 = vector.broadcast %neg3A_696 : f32 to vector<16xf32>
    %neg3A_698 = arith.subf %neg3A_697, %add3A_695 : vector<16xf32>
    %exp3A_699 = math.exp %neg3A_698 : vector<16xf32>
    %add3A_700 = arith.constant 1.000000e+00 : f32
    %add3A_701 = vector.broadcast %add3A_700 : f32 to vector<16xf32>
    %add3A_702 = arith.addf %add3A_701, %exp3A_699 : vector<16xf32>
    %div3A_703 = arith.constant 1.000000e+00 : f32
    %div3A_704 = vector.broadcast %div3A_703 : f32 to vector<16xf32>
    %div3A_705 = arith.divf %div3A_704, %add3A_702 : vector<16xf32>
    %swap3A_706 = arith.constant 384 : index
    %swap3A_707 = tpu.vector_load %arg13[%swap3A_706] {strides = array<i32>} : memref<512xf32, #tpu.memory_space<vmem>>, vector<16xf32>,
    tpu.vector_store %arg13[%swap3A_706], %div3A_705 {strides = array<i32>} : memref<512xf32, #tpu.memory_space<vmem>>, vector<16xf32>,
    %get3A_708 = arith.constant 3 : i32
    %get3A_709 = arith.index_cast %get3A_708 : i32 to index
    %get3A_710 = arith.constant 16 : index
    %get3A_711 = tpu.vector_load %arg10[%get3A_709, %get3A_710] {strides = array<i32>} : memref<4x128xf32, #tpu.memory_space<vmem>>, vector<16xf32>,
    %get3A_712 = arith.constant 3 : i32
    %get3A_713 = arith.index_cast %get3A_712 : i32 to index
    %get3A_714 = arith.constant 16 : index
    %get3A_715 = tpu.vector_load %arg11[%get3A_713, %get3A_714] {strides = array<i32>} : memref<4x128xf32, #tpu.memory_space<vmem>>, vector<16xf32>,
    %add3A_716 = arith.addf %get3A_711, %get3A_715 : vector<16xf32>
    %add3A_717 = arith.addf %add3A_716, %get3A_161 : vector<16xf32>
    %neg3A_718 = arith.constant 0.000000e+00 : f32
    %neg3A_719 = vector.broadcast %neg3A_718 : f32 to vector<16xf32>
    %neg3A_720 = arith.subf %neg3A_719, %add3A_717 : vector<16xf32>
    %exp3A_721 = math.exp %neg3A_720 : vector<16xf32>
    %add3A_722 = arith.constant 1.000000e+00 : f32
    %add3A_723 = vector.broadcast %add3A_722 : f32 to vector<16xf32>
    %add3A_724 = arith.addf %add3A_723, %exp3A_721 : vector<16xf32>
    %div3A_725 = arith.constant 1.000000e+00 : f32
    %div3A_726 = vector.broadcast %div3A_725 : f32 to vector<16xf32>
    %div3A_727 = arith.divf %div3A_726, %add3A_724 : vector<16xf32>
    %swap3A_728 = arith.constant 400 : index
    %swap3A_729 = tpu.vector_load %arg13[%swap3A_728] {strides = array<i32>} : memref<512xf32, #tpu.memory_space<vmem>>, vector<16xf32>,
    tpu.vector_store %arg13[%swap3A_728], %div3A_727 {strides = array<i32>} : memref<512xf32, #tpu.memory_space<vmem>>, vector<16xf32>,
    %get3A_730 = arith.constant 3 : i32
    %get3A_731 = arith.index_cast %get3A_730 : i32 to index
    %get3A_732 = arith.constant 32 : index
    %get3A_733 = tpu.vector_load %arg10[%get3A_731, %get3A_732] {strides = array<i32>} : memref<4x128xf32, #tpu.memory_space<vmem>>, vector<16xf32>,
    %get3A_734 = arith.constant 3 : i32
    %get3A_735 = arith.index_cast %get3A_734 : i32 to index
    %get3A_736 = arith.constant 32 : index
    %get3A_737 = tpu.vector_load %arg11[%get3A_735, %get3A_736] {strides = array<i32>} : memref<4x128xf32, #tpu.memory_space<vmem>>, vector<16xf32>,
    %add3A_738 = arith.addf %get3A_733, %get3A_737 : vector<16xf32>
    %add3A_739 = arith.addf %add3A_738, %get3A_161 : vector<16xf32>
    %neg3A_740 = arith.constant 0.000000e+00 : f32
    %neg3A_741 = vector.broadcast %neg3A_740 : f32 to vector<16xf32>
    %neg3A_742 = arith.subf %neg3A_741, %add3A_739 : vector<16xf32>
    %exp3A_743 = math.exp %neg3A_742 : vector<16xf32>
    %add3A_744 = arith.constant 1.000000e+00 : f32
    %add3A_745 = vector.broadcast %add3A_744 : f32 to vector<16xf32>
    %add3A_746 = arith.addf %add3A_745, %exp3A_743 : vector<16xf32>
    %div3A_747 = arith.constant 1.000000e+00 : f32
    %div3A_748 = vector.broadcast %div3A_747 : f32 to vector<16xf32>
    %div3A_749 = arith.divf %div3A_748, %add3A_746 : vector<16xf32>
    %swap3A_750 = arith.constant 416 : index
    %swap3A_751 = tpu.vector_load %arg13[%swap3A_750] {strides = array<i32>} : memref<512xf32, #tpu.memory_space<vmem>>, vector<16xf32>,
    tpu.vector_store %arg13[%swap3A_750], %div3A_749 {strides = array<i32>} : memref<512xf32, #tpu.memory_space<vmem>>, vector<16xf32>,
    %get3A_752 = arith.constant 3 : i32
    %get3A_753 = arith.index_cast %get3A_752 : i32 to index
    %get3A_754 = arith.constant 48 : index
    %get3A_755 = tpu.vector_load %arg10[%get3A_753, %get3A_754] {strides = array<i32>} : memref<4x128xf32, #tpu.memory_space<vmem>>, vector<16xf32>,
    %get3A_756 = arith.constant 3 : i32
    %get3A_757 = arith.index_cast %get3A_756 : i32 to index
    %get3A_758 = arith.constant 48 : index
    %get3A_759 = tpu.vector_load %arg11[%get3A_757, %get3A_758] {strides = array<i32>} : memref<4x128xf32, #tpu.memory_space<vmem>>, vector<16xf32>,
    %add3A_760 = arith.addf %get3A_755, %get3A_759 : vector<16xf32>
    %add3A_761 = arith.addf %add3A_760, %get3A_161 : vector<16xf32>
    %neg3A_762 = arith.constant 0.000000e+00 : f32
    %neg3A_763 = vector.broadcast %neg3A_762 : f32 to vector<16xf32>
    %neg3A_764 = arith.subf %neg3A_763, %add3A_761 : vector<16xf32>
    %exp3A_765 = math.exp %neg3A_764 : vector<16xf32>
    %add3A_766 = arith.constant 1.000000e+00 : f32
    %add3A_767 = vector.broadcast %add3A_766 : f32 to vector<16xf32>
    %add3A_768 = arith.addf %add3A_767, %exp3A_765 : vector<16xf32>
    %div3A_769 = arith.constant 1.000000e+00 : f32
    %div3A_770 = vector.broadcast %div3A_769 : f32 to vector<16xf32>
    %div3A_771 = arith.divf %div3A_770, %add3A_768 : vector<16xf32>
    %swap3A_772 = arith.constant 432 : index
    %swap3A_773 = tpu.vector_load %arg13[%swap3A_772] {strides = array<i32>} : memref<512xf32, #tpu.memory_space<vmem>>, vector<16xf32>,
    tpu.vector_store %arg13[%swap3A_772], %div3A_771 {strides = array<i32>} : memref<512xf32, #tpu.memory_space<vmem>>, vector<16xf32>,
    %get3A_774 = arith.constant 3 : i32
    %get3A_775 = arith.index_cast %get3A_774 : i32 to index
    %get3A_776 = arith.constant 64 : index
    %get3A_777 = tpu.vector_load %arg10[%get3A_775, %get3A_776] {strides = array<i32>} : memref<4x128xf32, #tpu.memory_space<vmem>>, vector<16xf32>,
    %get3A_778 = arith.constant 3 : i32
    %get3A_779 = arith.index_cast %get3A_778 : i32 to index
    %get3A_780 = arith.constant 64 : index
    %get3A_781 = tpu.vector_load %arg11[%get3A_779, %get3A_780] {strides = array<i32>} : memref<4x128xf32, #tpu.memory_space<vmem>>, vector<16xf32>,
    %add3A_782 = arith.addf %get3A_777, %get3A_781 : vector<16xf32>
    %add3A_783 = arith.addf %add3A_782, %get3A_161 : vector<16xf32>
    %neg3A_784 = arith.constant 0.000000e+00 : f32
    %neg3A_785 = vector.broadcast %neg3A_784 : f32 to vector<16xf32>
    %neg3A_786 = arith.subf %neg3A_785, %add3A_783 : vector<16xf32>
    %exp3A_787 = math.exp %neg3A_786 : vector<16xf32>
    %add3A_788 = arith.constant 1.000000e+00 : f32
    %add3A_789 = vector.broadcast %add3A_788 : f32 to vector<16xf32>
    %add3A_790 = arith.addf %add3A_789, %exp3A_787 : vector<16xf32>
    %div3A_791 = arith.constant 1.000000e+00 : f32
    %div3A_792 = vector.broadcast %div3A_791 : f32 to vector<16xf32>
    %div3A_793 = arith.divf %div3A_792, %add3A_790 : vector<16xf32>
    %swap3A_794 = arith.constant 448 : index
    %swap3A_795 = tpu.vector_load %arg13[%swap3A_794] {strides = array<i32>} : memref<512xf32, #tpu.memory_space<vmem>>, vector<16xf32>,
    tpu.vector_store %arg13[%swap3A_794], %div3A_793 {strides = array<i32>} : memref<512xf32, #tpu.memory_space<vmem>>, vector<16xf32>,
    %get3A_796 = arith.constant 3 : i32
    %get3A_797 = arith.index_cast %get3A_796 : i32 to index
    %get3A_798 = arith.constant 80 : index
    %get3A_799 = tpu.vector_load %arg10[%get3A_797, %get3A_798] {strides = array<i32>} : memref<4x128xf32, #tpu.memory_space<vmem>>, vector<16xf32>,
    %get3A_800 = arith.constant 3 : i32
    %get3A_801 = arith.index_cast %get3A_800 : i32 to index
    %get3A_802 = arith.constant 80 : index
    %get3A_803 = tpu.vector_load %arg11[%get3A_801, %get3A_802] {strides = array<i32>} : memref<4x128xf32, #tpu.memory_space<vmem>>, vector<16xf32>,
    %add3A_804 = arith.addf %get3A_799, %get3A_803 : vector<16xf32>
    %add3A_805 = arith.addf %add3A_804, %get3A_161 : vector<16xf32>
    %neg3A_806 = arith.constant 0.000000e+00 : f32
    %neg3A_807 = vector.broadcast %neg3A_806 : f32 to vector<16xf32>
    %neg3A_808 = arith.subf %neg3A_807, %add3A_805 : vector<16xf32>
    %exp3A_809 = math.exp %neg3A_808 : vector<16xf32>
    %add3A_810 = arith.constant 1.000000e+00 : f32
    %add3A_811 = vector.broadcast %add3A_810 : f32 to vector<16xf32>
    %add3A_812 = arith.addf %add3A_811, %exp3A_809 : vector<16xf32>
    %div3A_813 = arith.constant 1.000000e+00 : f32
    %div3A_814 = vector.broadcast %div3A_813 : f32 to vector<16xf32>
    %div3A_815 = arith.divf %div3A_814, %add3A_812 : vector<16xf32>
    %swap3A_816 = arith.constant 464 : index
    %swap3A_817 = tpu.vector_load %arg13[%swap3A_816] {strides = array<i32>} : memref<512xf32, #tpu.memory_space<vmem>>, vector<16xf32>,
    tpu.vector_store %arg13[%swap3A_816], %div3A_815 {strides = array<i32>} : memref<512xf32, #tpu.memory_space<vmem>>, vector<16xf32>,
    %get3A_818 = arith.constant 3 : i32
    %get3A_819 = arith.index_cast %get3A_818 : i32 to index
    %get3A_820 = arith.constant 96 : index
    %get3A_821 = tpu.vector_load %arg10[%get3A_819, %get3A_820] {strides = array<i32>} : memref<4x128xf32, #tpu.memory_space<vmem>>, vector<16xf32>,
    %get3A_822 = arith.constant 3 : i32
    %get3A_823 = arith.index_cast %get3A_822 : i32 to index
    %get3A_824 = arith.constant 96 : index
    %get3A_825 = tpu.vector_load %arg11[%get3A_823, %get3A_824] {strides = array<i32>} : memref<4x128xf32, #tpu.memory_space<vmem>>, vector<16xf32>,
    %add3A_826 = arith.addf %get3A_821, %get3A_825 : vector<16xf32>
    %add3A_827 = arith.addf %add3A_826, %get3A_161 : vector<16xf32>
    %neg3A_828 = arith.constant 0.000000e+00 : f32
    %neg3A_829 = vector.broadcast %neg3A_828 : f32 to vector<16xf32>
    %neg3A_830 = arith.subf %neg3A_829, %add3A_827 : vector<16xf32>
    %exp3A_831 = math.exp %neg3A_830 : vector<16xf32>
    %add3A_832 = arith.constant 1.000000e+00 : f32
    %add3A_833 = vector.broadcast %add3A_832 : f32 to vector<16xf32>
    %add3A_834 = arith.addf %add3A_833, %exp3A_831 : vector<16xf32>
    %div3A_835 = arith.constant 1.000000e+00 : f32
    %div3A_836 = vector.broadcast %div3A_835 : f32 to vector<16xf32>
    %div3A_837 = arith.divf %div3A_836, %add3A_834 : vector<16xf32>
    %swap3A_838 = arith.constant 480 : index
    %swap3A_839 = tpu.vector_load %arg13[%swap3A_838] {strides = array<i32>} : memref<512xf32, #tpu.memory_space<vmem>>, vector<16xf32>,
    tpu.vector_store %arg13[%swap3A_838], %div3A_837 {strides = array<i32>} : memref<512xf32, #tpu.memory_space<vmem>>, vector<16xf32>,
    %get3A_840 = arith.constant 3 : i32
    %get3A_841 = arith.index_cast %get3A_840 : i32 to index
    %get3A_842 = arith.constant 112 : index
    %get3A_843 = tpu.vector_load %arg10[%get3A_841, %get3A_842] {strides = array<i32>} : memref<4x128xf32, #tpu.memory_space<vmem>>, vector<16xf32>,
    %get3A_844 = arith.constant 3 : i32
    %get3A_845 = arith.index_cast %get3A_844 : i32 to index
    %get3A_846 = arith.constant 112 : index
    %get3A_847 = tpu.vector_load %arg11[%get3A_845, %get3A_846] {strides = array<i32>} : memref<4x128xf32, #tpu.memory_space<vmem>>, vector<16xf32>,
    %add3A_848 = arith.addf %get3A_843, %get3A_847 : vector<16xf32>
    %add3A_849 = arith.addf %add3A_848, %get3A_161 : vector<16xf32>
    %neg3A_850 = arith.constant 0.000000e+00 : f32
    %neg3A_851 = vector.broadcast %neg3A_850 : f32 to vector<16xf32>
    %neg3A_852 = arith.subf %neg3A_851, %add3A_849 : vector<16xf32>
    %exp3A_853 = math.exp %neg3A_852 : vector<16xf32>
    %add3A_854 = arith.constant 1.000000e+00 : f32
    %add3A_855 = vector.broadcast %add3A_854 : f32 to vector<16xf32>
    %add3A_856 = arith.addf %add3A_855, %exp3A_853 : vector<16xf32>
    %div3A_857 = arith.constant 1.000000e+00 : f32
    %div3A_858 = vector.broadcast %div3A_857 : f32 to vector<16xf32>
    %div3A_859 = arith.divf %div3A_858, %add3A_856 : vector<16xf32>
    %swap3A_860 = arith.constant 496 : index
    %swap3A_861 = tpu.vector_load %arg13[%swap3A_860] {strides = array<i32>} : memref<512xf32, #tpu.memory_space<vmem>>, vector<16xf32>,
    tpu.vector_store %arg13[%swap3A_860], %div3A_859 {strides = array<i32>} : memref<512xf32, #tpu.memory_space<vmem>>, vector<16xf32>,
    "tpu.region"() ({
      %run_scoped3A = tpu.sem_alloc : memref<!tpu.dma_semaphore, #tpu.memory_space<semaphore_mem>>
      %dma_start3A_862 = tpu.memref_slice %arg7[%mul3A_2] : memref<16384xf32, #tpu.memory_space<hbm>> -> memref<512xf32, #tpu.memory_space<hbm>>
      %dma_start3A_863 = tpu.memref_slice %arg7[%mul3A_2] : memref<16384xf32, #tpu.memory_space<hbm>> -> memref<512xf32, #tpu.memory_space<hbm>>
      tpu.enqueue_dma source(%arg13 : memref<512xf32, #tpu.memory_space<vmem>>) target(%dma_start3A_863 : memref<512xf32, #tpu.memory_space<hbm>>) target_semaphore(%run_scoped3A : memref<!tpu.dma_semaphore, #tpu.memory_space<semaphore_mem>>)
      %dma_wait3A_864 = tpu.memref_slice %arg7[%mul3A_2] : memref<16384xf32, #tpu.memory_space<hbm>> -> memref<512xf32, #tpu.memory_space<hbm>>
      %dma_wait3A_865 = tpu.memref_slice %arg7[%mul3A_2] : memref<16384xf32, #tpu.memory_space<hbm>> -> memref<512xf32, #tpu.memory_space<hbm>>
      tpu.wait_dma2 semaphore(%run_scoped3A : memref<!tpu.dma_semaphore, #tpu.memory_space<semaphore_mem>>) src(%arg13 : memref<512xf32, #tpu.memory_space<vmem>>) dst(%dma_wait3A_865 : memref<512xf32, #tpu.memory_space<hbm>>)
      tpu.yield
    }) : () -> ()
    return
  }
}

module attributes {stable_mosaic.version = 14 : i64} {
  func.func @_tc_matvec_body(%arg0: i32, %arg1: memref<16x64xf32, #tpu.memory_space<vmem>>, %arg2: memref<64x16384xf32, #tpu.memory_space<vmem>>, %arg3: memref<64x16384xf32, #tpu.memory_space<vmem>>, %arg4: memref<16384xf32, #tpu.memory_space<vmem>>, %arg5: memref<16384xf32, #tpu.memory_space<vmem>>) attributes {dimension_semantics = [#tpu.dimension_semantics<arbitrary>], iteration_bounds = array<i64: 62>, scalar_prefetch = 0 : i64, scratch_operands = 0 : i64, tpu.core_type = #tpu.core_type<tc>, window_params = [{pipeline_mode = #tpu.pipeline_mode<synchronous>, transform_indices = @transform_0, window_bounds = array<i64: 16, 64>}, {transform_indices = @transform_1, window_bounds = array<i64: 64, 16384>}, {transform_indices = @transform_2, window_bounds = array<i64: 64, 16384>}, {transform_indices = @transform_3, window_bounds = array<i64: 16384>}, {transform_indices = @transform_4, window_bounds = array<i64: 16384>}]} {
    %get3A = arith.constant 0 : index
    %get3A_0 = arith.constant 0 : index
    %get3A_1 = vector.load %arg1[%get3A, %get3A_0] : memref<16x64xf32, #tpu.memory_space<vmem>>, vector<8x64xf32>
    %get3A_2 = arith.constant 0 : index
    %get3A_3 = arith.constant 0 : index
    %get3A_4 = vector.load %arg2[%get3A_2, %get3A_3] : memref<64x16384xf32, #tpu.memory_space<vmem>>, vector<64x16384xf32>
    %dot_general3A = arith.constant dense<0.000000e+00> : vector<8x16384xf32>
    %dot_general3A_5 = tpu.matmul %get3A_1, %get3A_4, %dot_general3A {dimension_numbers = #tpu.dot_dimension_numbers<[1], [0], [0], [1], [0, 0, 1, 1], [], []>, transpose_lhs_hint = false} : vector<8x64xf32>, vector<64x16384xf32>, vector<8x16384xf32> -> vector<8x16384xf32>
    %slice3A = vector.extract_strided_slice %dot_general3A_5 {offsets = [0, 0], sizes = [1, 16384], strides = [1, 1]} : vector<8x16384xf32> to vector<1x16384xf32>
    %squeeze3A = vector.shape_cast %slice3A : vector<1x16384xf32> to vector<16384xf32>
    %swap3A = arith.constant 0 : index
    %swap3A_6 = vector.load %arg4[%swap3A] : memref<16384xf32, #tpu.memory_space<vmem>>, vector<16384xf32>
    tpu.vector_store %arg4[%swap3A], %squeeze3A {strides = array<i32>} : memref<16384xf32, #tpu.memory_space<vmem>>, vector<16384xf32>,
    %get3A_7 = arith.constant 0 : index
    %get3A_8 = arith.constant 0 : index
    %get3A_9 = vector.load %arg3[%get3A_7, %get3A_8] : memref<64x16384xf32, #tpu.memory_space<vmem>>, vector<1x16384xf32>
    %get3A_10 = vector.shape_cast %get3A_9 : vector<1x16384xf32> to vector<16384xf32>
    %swap3A_11 = arith.constant 0 : index
    %swap3A_12 = vector.load %arg5[%swap3A_11] : memref<16384xf32, #tpu.memory_space<vmem>>, vector<16384xf32>
    tpu.vector_store %arg5[%swap3A_11], %get3A_10 {strides = array<i32>} : memref<16384xf32, #tpu.memory_space<vmem>>, vector<16384xf32>,
    return
  }
  func.func @transform_0(%arg0: i32) -> (i32, i32) {
    %c0_i32 = arith.constant 0 : i32
    %c0_i32_0 = arith.constant 0 : i32
    %c0_i32_1 = arith.constant 0 : i32
    return %c0_i32, %c0_i32_0 : i32, i32
  }
  func.func @transform_1(%arg0: i32) -> (i32, i32) {
    %c0_i32 = arith.constant 0 : i32
    %c0_i32_0 = arith.constant 0 : i32
    return %c0_i32, %arg0 : i32, i32
  }
  func.func @transform_2(%arg0: i32) -> (i32, i32) {
    %c0_i32 = arith.constant 0 : i32
    %c0_i32_0 = arith.constant 0 : i32
    return %c0_i32, %arg0 : i32, i32
  }
  func.func @transform_3(%arg0: i32) -> i32 {
    %c0_i32 = arith.constant 0 : i32
    return %arg0 : i32
  }
  func.func @transform_4(%arg0: i32) -> i32 {
    %c0_i32 = arith.constant 0 : i32
    return %arg0 : i32
  }
}

</mosaic_0001>

<sc_bundles>
// kernel: kernel.4.cloned.1.call-start
scs
__scs_entry_jumppad:
0x0: {  	(pc) =	sbr.rel $0x88, $3  }
0x1: {  	(tag) =	ssettag $0x0;
	lr =	simm.s32 $0x1  }
0x2: {  	[smem:$0x3F99] =	sst lr;
	_ =	strace $0xD0000000  }
0x3: {  	_ = 	snop  }
0x4: {  	_ = 	snop  }
0x5: {  	_ = 	snop  }
0x6: {  	_ = 	snop  }
0x7: {  	_ = 	snop  }
__scs_overlays_trampoline_lowered:
0x8: {  	[smem:$0x3FA8] =	sst s0  }
0x9: {  	[smem:$0x3FA9] =	sst s1  }
0xa: {  	[smem:$0x3FAA] =	sst s2  }
0xb: {  	[smem:$0x3FAB] =	sst s3  }
0xc: {  	[smem:$0x3FAC] =	sst s4  }
0xd: {  	[smem:$0x3FAD] =	sst s5  }
0xe: {  	[smem:$0x3FAE] =	sst s6  }
0xf: {  	[smem:$0x3FAF] =	sst s7  }
0x10: {  	[smem:$0x3FB0] =	sst s8  }
0x11: {  	[smem:$0x3FB1] =	sst s9;
	s0 =	simm.s32 @!p0 $0x0  }
0x12: {  	s1 =	sld [smem:$0x3F97];
	s0 =	simm.s32 @p0 $0x1  }
0x13: {  	[smem:$0x3FB2] =	sst s0;
	s0 =	simm.s32 @!p1 $0x0  }
0x14: {  	s2 =	sld [smem:$0x3F96];
	s0 =	simm.s32 @p1 $0x1  }
0x15: {  	[smem:$0x3FB3] =	sst s0;
	s0 =	simm.s32 @!p2 $0x0  }
0x16: {  	s3 =	sld [smem:$0x3FDB];
	s0 =	simm.s32 @p2 $0x1  }
0x17: {  	s4 =	simm.s32 $0x1BF5;
	[smem:$0x3FB5] =	sst s0  }
0x18: {  	s0 =	sld [smem:$0x3F98];
	_ =	swait.ge [sflag:s4], $0x0  }
0x19: {  	s7 =	sld [smem:$0x3F99]  }
0x1a: {  	s8 =	sadd.s32 $0xFFFFE003, lr  }
0x1b: {  	s9 =	sadd.s32 $0xFFFFFEF7, lr;
	s5 =	simm.s32 $0xFFFFFFFF;
	p2 =	slt.u32 s8, $0xFFFFF086  }
0x1c: {  	p1 =	slt.u32 s9, $0xF7A;
	s5 =	simm.s32 @!p2 $0x0  }
0x1d: {  	s5 =	simm.s32 @p1 $0x1;
	p0 =	seq.s32 s7, s2  }
0x1e: {  	s7 =	smul.u32 @!p0 $0xF7A, s2;
	p2 =	seq.s32 @!p0 s5, $0x0  }
0x1f: {  	s9 =	smul.u32 $0xF7A, s1;
	s8 =	simm.s32 @!p0 $0x1BF5;
	p2 =	por !p2, p0  }
0x20: {  	[sflag:s8] =	ssyncset.s32 @!p0 $0xFFFFF086;
	s6 =	sadd.s32 @!p0 s3, s7;
	s7 =	simm.s32 @!p0 $0x108  }
0x21: {  	s3 =	sadd.s32 s3, s9;
	s6 =	sadd.s32 @!p0 $0x88, s6;
	s7 =	simm.s32 @p2 $0x1082  }
0x22: {  	[simem:s7], [sflag:s8] =	dma.local @!p0 [hbm:s6], $0xF7A  }
0x23: {  	s9 =	sor.u32 $0xD0000000, s2;
	s6 =	simm.s32 $0x108;
	_ =	swait.ge @!p0 [sflag:s8], $0x0  }
0x24: {  	s3 =	sadd.s32 $0x88, s3;
	s6 =	simm.s32 @!p1 $0x1082;
	[sflag:s4] =	ssyncset.s32 $0xFFFFF086  }
0x25: {  	[simem:s6], [sflag:s4] =	dma.local [hbm:s3], $0xF7A  }
0x26: {  	[smem:$0x3F99] =	sst s1;
	(tag) =	ssettag s2;
	_ =	strace s9  }
0x27: {  	s1 =	sld [smem:$0x3FA9]  }
0x28: {  	s2 =	sld [smem:$0x3FAA]  }
0x29: {  	s4 =	sld [smem:$0x3FAC]  }
0x2a: {  	p0 =	seq.s32 s5, $0x0;
	s5 =	sld [smem:$0x3FAD]  }
0x2b: {  	s6 =	sld [smem:$0x3FAE]  }
0x2c: {  	s7 =	sld [smem:$0x3FAF]  }
0x2d: {  	s3 =	simm.s32 $0x108;
	s8 =	sld [smem:$0x3FB0]  }
0x2e: {  	s3 =	simm.s32 @!p0 $0x1082;
	s9 =	sld [smem:$0x3FB1]  }
0x2f: {  	lr =	sadd.s32 s0, s3;
	s0 =	sld [smem:$0x3FA8]  }
0x30: {  	s3 =	sld [smem:$0x3FAB]  }
0x31: {  	[smem:$0x3FB4] =	sst s10  }
0x32: {  	s10 =	sld [smem:$0x3FB2];
	_ =	sdelay $0x3  }
0x33: {  	p0 =	seq.s32 s10, $0x1;
	s10 =	sld [smem:$0x3FB4];
	_ =	sdelay $0x3  }
0x34: {  	[smem:$0x3FB4] =	sst s10  }
0x35: {  	s10 =	sld [smem:$0x3FB3];
	_ =	sdelay $0x3  }
0x36: {  	p1 =	seq.s32 s10, $0x1;
	s10 =	sld [smem:$0x3FB4];
	_ =	sdelay $0x3  }
0x37: {  	[smem:$0x3FB4] =	sst s10  }
0x38: {  	s10 =	sld [smem:$0x3FB5]  }
0x39: {  	_ = 	snop;
	(pc) =	sbr.ind lr, $3  }
0x3a: {  	_ = 	snop  }
0x3b: {  	_ = 	snop  }
0x3c: {  	p2 =	seq.s32 s10, $0x1;
	s10 =	sld [smem:$0x3FB4]  }
0x3d: {  	_ =	shalt  }
0x3e: {  	_ =	shalt  }
0x3f: {  	_ =	shalt  }
0x40: {  	_ =	shalt  }
0x41: {  	_ =	shalt  }
0x42: {  	_ =	shalt  }
0x43: {  	_ =	shalt  }
0x44: {  	_ =	shalt  }
0x45: {  	_ =	shalt  }
0x46: {  	_ =	shalt  }
0x47: {  	_ =	shalt  }
0x48: {  	_ =	shalt  }
0x49: {  	_ =	shalt  }
0x4a: {  	_ =	shalt  }
0x4b: {  	_ =	shalt  }
0x4c: {  	_ =	shalt  }
0x4d: {  	_ =	shalt  }
0x4e: {  	_ =	shalt  }
0x4f: {  	_ =	shalt  }
0x50: {  	_ =	shalt  }
0x51: {  	_ =	shalt  }
0x52: {  	_ =	shalt  }
0x53: {  	_ =	shalt  }
0x54: {  	_ =	shalt  }
0x55: {  	_ =	shalt  }
0x56: {  	_ =	shalt  }
0x57: {  	_ =	shalt  }
0x58: {  	_ =	shalt  }
0x59: {  	_ =	shalt  }
0x5a: {  	_ =	shalt  }
0x5b: {  	_ =	shalt  }
0x5c: {  	_ =	shalt  }
0x5d: {  	_ =	shalt  }
0x5e: {  	_ =	shalt  }
0x5f: {  	_ =	shalt  }
0x60: {  	_ =	shalt  }
0x61: {  	_ =	shalt  }
0x62: {  	_ =	shalt  }
0x63: {  	_ =	shalt  }
0x64: {  	_ =	shalt  }
0x65: {  	_ =	shalt  }
0x66: {  	_ =	shalt  }
0x67: {  	_ =	shalt  }
0x68: {  	_ =	shalt  }
0x69: {  	_ =	shalt  }
0x6a: {  	_ =	shalt  }
0x6b: {  	_ =	shalt  }
0x6c: {  	_ =	shalt  }
0x6d: {  	_ =	shalt  }
0x6e: {  	_ =	shalt  }
0x6f: {  	_ =	shalt  }
0x70: {  	_ =	shalt  }
0x71: {  	_ =	shalt  }
0x72: {  	_ =	shalt  }
0x73: {  	_ =	shalt  }
0x74: {  	_ =	shalt  }
0x75: {  	_ =	shalt  }
0x76: {  	_ =	shalt  }
0x77: {  	_ =	shalt  }
0x78: {  	_ =	shalt  }
0x79: {  	_ =	shalt  }
0x7a: {  	_ =	shalt  }
0x7b: {  	_ =	shalt  }
0x7c: {  	_ =	shalt  }
0x7d: {  	_ =	shalt  }
0x7e: {  	_ =	shalt  }
0x7f: {  	_ =	shalt  }
0x80: {  	_ =	shalt  }
0x81: {  	_ =	shalt  }
0x82: {  	_ =	shalt  }
0x83: {  	_ =	shalt  }
0x84: {  	_ =	shalt  }
0x85: {  	_ =	shalt  }
0x86: {  	_ =	shalt  }
0x87: {  	_ =	shalt  }
.Lfunc_end0:
.L_simem_size_0:
called_computation_lowered:
.L_overlay_start_0:
0x88: {  	s2 =	sld [smem:$0x3FD9]  }
0x89: {  	s3 =	sld [smem:$0x3FFE];
	_ =	sdelay $0x1  }
0x8a: {  	s1 =	srdreg.scid  }
0x8b: {  	s0 =	sand.u32 $0x1, s1  }
0x8c: {  	s17 =	sshll.u32 s0, $0xA;
	s2 =	sadd.s32 s3, s2  }
0x8d: {  	s2 =	sadd.s32 s2, s17  }
0x8e: {  	[smem:$0x3FC0] =	sst s2  }
0x8f: {  	_ = 	snop  }
0x90: {  	s2 =	sld [smem:$0x3FC9]  }
0x91: {  	s18 =	sld [smem:$0x3FC8]  }
0x92: {  	s4 =	sld [smem:$0x3FD0];
	(tm) =	ssettm $0x1  }
0x93: {  	s5 =	sld [smem:$0x3FFB];
	_ =	sdelay $0x3  }
0x94: {  	_ =	strace s5  }
0x95: {  	s5 =	sld [smem:$0x3FFC];
	_ =	sdelay $0x3  }
0x96: {  	_ =	strace s5  }
0x97: {  	s5 =	sld [smem:$0x3FFD];
	_ =	sdelay $0x3  }
0x98: {  	_ =	strace s5  }
0x99: {  	_ =	strace $0x8FFFFFFF  }
0x9a: {  	s19 =	sld [smem:$0x3FDB];
	_ =	sdelay $0x1  }
0x9b: {  	s6 =	simm.s32 $_scs_section_size  }
0x9c: {  	s7 =	simm.s32 $_size__tile_overlayer_lowered;
	s8 =	simm.s32 $_tile_overlayer_lowered  }
0x9d: {  	s22 =	simm.s32 $0x1BFF;
	s21 =	sshll.u32 s8, $0x1;
	s5 =	sadd.s32 s6, s19  }
0x9e: {  	s9 =	simm.s32 $0x0;
	s20 =	sshll.u32 s7, $0x1;
	s7 =	sadd.s32 s21, s5  }
0x9f: {  	[timem:s9], [sflag:s22] =	dma.local [hbm:s7], s20  }
0xa0: {  	_ =	swait.ge [sflag:s22], s20  }
0xa1: {  	s6 =	ssub.s32 $0x0, s20;
	[sflag:s22] =	ssyncset.done $0x0  }
0xa2: {  	[sflag:s22] =	ssyncadd.s32 s6;
	_ =	sdelay $0x1  }
0xa3: {  	s23 =	simm.s32 $0x1B8B  }
0xa4: {  	_ =	swait.ge [sflag:s23], $0x1  }
0xa5: {  	[sflag:s23] =	ssyncset.done $0x0  }
0xa6: {  	s25 =	simm.s32 $0x1B8E;
	s24 =	sld [smem:$0x3FFE];
	[sflag:s23] =	ssyncadd.s32 $0xFFFFFFFF  }
0xa7: {  	s26 =	simm.s32 $execute0_lowered;
	[smem:$0x3FD2] =	sst s25  }
0xa8: {  	s7 =	sshll.u32 s26, $0x1;
	_ =	strace $0x80000046;
	[dreg:$0x1] =	wrdreg $0xFFFFFFFF  }
0xa9: {  	s28 =	simm.s32 $_size_execute0_lowered;
	s5 =	sadd.s32 s5, s7;
	[dreg:$0x0] =	wrdreg $0x0  }
0xaa: {  	s7 =	sshll.u32 s28, $0x1;
	[dreg:$0x2] =	wrdreg s5  }
0xab: {  	[dreg:$0x3] =	wrdreg s7  }
0xac: {  	[dreg:$0x4] =	wrdreg $0xC0  }
0xad: {  	_ =	task [dreg:s9], $0x5FFFF  }
0xae: {  	[dreg:$0x1] =	wrdreg $0xFFFFFFFF  }
0xaf: {  	[dreg:$0x0] =	wrdreg $0x60  }
0xb0: {  	[dreg:$0x2] =	wrdreg s2  }
0xb1: {  	[dreg:$0x3] =	wrdreg s18  }
0xb2: {  	[dreg:$0x4] =	wrdreg s24  }
0xb3: {  	[dreg:$0x5] =	wrdreg s4  }
0xb4: {  	[dreg:$0x6] =	wrdreg $0x9  }
0xb5: {  	_ =	task.clear_ibuf [dreg:s9], $0x7FFFF;
	_ =	strace $0x90000046  }
0xb6: {  	s29 =	simm.s32 $0x9;
	_ =	strace $0x80000048  }
0xb7: {  	_ =	swait.ge [sflag:s29], $0x1  }
0xb8: {  	[sflag:s29] =	ssyncadd.s32 $0xFFFFFFFF  }
0xb9: {  	_ =	strace $0x90000048  }
0xba: {  	_ =	sfence  }
0xbb: {  	s30 =	sld [smem:$0x0];
	_ =	sdelay $0x2  }
0xbc: {  	s31 =	sshll.u32 s1, $0xD;
	s1 =	sshrl.u32 s1, $0x2  }
0xbd: {  	s3 =	sand.u32 $0x4000, s31;
	s1 =	sadd.s32 s1, s30  }
0xbe: {  	s0 =	sor.u32 s3, s0;
	s1 =	sshll.u32 s1, $0x11  }
0xbf: {  	s0 =	sor.u32 s1, s0  }
0xc0: {  	s0 =	sadd.s32 $0x8F2B, s0  }
0xc1: {  	[sflag:s0] =	ssyncadd.remote.s32 $0x1  }
0xc2: {  	_ =	sfence.sel $0xFFFF  }
0xc3: {  	[dreg:$0x0] =	wrdreg $0xFFFFFFFF;
	(pc) =	sbr.abs _section_cstart, $3  }
0xc4: {  	[dreg:$0x1] =	wrdreg $0xFFFFFFFF  }
0xc5: {  	_ =	task.clear_ibuf [dreg:s9], $0x2FFFF;
	_ =	strace $0x9FFFFFFF  }
0xc6: {  	(tm) =	ssettm $0x7FFFFFFF  }
0xc7: {  	_ =	shalt  }
tec
execute0_lowered:
.L_overlay_start_1:
0x0: {  	(tag) =	ssettag $0x1  }
0x1: {  	s6 =	rddreg [dreg:$0x0]  }
0x2: {  	s7 =	rddreg [dreg:$0x1]  }
0x3: {  	s5 =	rddreg [dreg:$0x2]  }
0x4: {  	s8 =	rddreg [dreg:$0x3]  }
0x5: {  	s0 =	rddreg [dreg:$0x4];
	s1 =	simm.s32 $0x0;
	s9 =	srdreg.scid  }
0x6: {  	s2 =	stileid.u32;
	s13 =	simm.s32 $0x80;
	s14 =	simm.s32 $0x400  }
0x7: {  	s15 =	simm.s32 $0x600;
	s16 =	simm.s32 $0x480;
	s17 =	simm.s32 $0x280  }
0x8: {  	s18 =	simm.s32 $0x680;
	s19 =	simm.s32 $0x100;
	s20 =	simm.s32 $0x500  }
0x9: {  	s21 =	simm.s32 $0x300;
	s22 =	simm.s32 $0x700;
	s23 =	simm.s32 $0x180  }
0xa: {  	s24 =	simm.s32 $0x580;
	s25 =	simm.s32 $0x380;
	s26 =	simm.s32 $0x780  }
0xb: {  	s28 =	simm.s32 $0x1;
	s29 =	simm.s32 $0x810;
	[smem:$0x7FF] =	sst s1  }
0xc: {  	s3 =	sadd.s32 $0x3E000, s5;
	s4 =	sadd.s32 $0xC00, s5;
	s9 =	sand.u32 $0x1, s9  }
0xd: {  	s11 =	sshll.u32 s2, $0x7;
	s5 =	sadd.s32 $0x1F600, s5;
	s10 =	ssub.s32 $0x2, s9  }
0xe: {  	_ =	strace $0x80000047;
	s9 =	sshll.u32 s9, $0x6;
	s12 =	sshrl.u32 s10, $0x1  }
0xf: {  	s9 =	sor.u32 s9, s11;
	s11 =	simm.s32 $0x200;
	s10 =	ssub.s32 s10, s12  }
0x10: {  	s6 =	sadd.s32 s6, s9;
	s7 =	sadd.s32 s7, s9;
	s8 =	sadd.s32 s8, s9  }
0x11: {  	s12 =	simm.s32 $0x800;
	s9 =	smax.u32 s10, $0x1;
	s10 =	simm.s32 $0x2  }
.LBB2_1:
0x12: {  	[tilespmem:s1], [sflag:$0x2] =	stream.linear.gather [hbm4b:s6+s1], $0x200, $0x38;
	[tilespmem:$0xA10] =	vst v63  }
0x13: {  	_ =	swait.ge [sflag:s10], $0x200  }
0x14: {  	[sflag:s10] =	ssyncset.done $0x0  }
0x15: {  	[sflag:s10] =	ssyncadd.s32 $0xFFFFFE00  }
0x16: {  	[tilespmem:s11], [sflag:$0x2] =	stream.linear.gather [hbm4b:s7+s1], $0x200, $0x38;
	[tilespmem:$0xA10] =	vst v63  }
0x17: {  	_ =	swait.ge [sflag:s10], $0x200  }
0x18: {  	[sflag:s10] =	ssyncset.done $0x0  }
0x19: {  	[sflag:s10] =	ssyncadd.s32 $0xFFFFFE00  }
0x1a: {  	[tilespmem:s12], [sflag:$0x2] =	stream.linear.gather [hbm4b:s3+s1], $0x10, $0x38;
	[tilespmem:$0xA10] =	vst v63  }
0x1b: {  	_ =	swait.ge [sflag:s10], $0x10  }
0x1c: {  	[sflag:s10] =	ssyncset.done $0x0  }
0x1d: {  	[sflag:s10] =	ssyncadd.s32 $0xFFFFFFF0  }
0x1e: {  	[tilespmem:s14], [sflag:$0x1] =	stream.indirect.gather [hbm4b:s4+s13], $0x1, s1, s13, $0xb8;
	[tilespmem:$0xA10] =	vst v63  }
0x1f: {  	_ = 	snop  }
0x20: {  	[tilespmem:s15], [sflag:$0x1] =	stream.indirect.gather [hbm4b:s5+s13], $0x1, s11, s13, $0xb8;
	[tilespmem:$0xA10] =	vst v63  }
0x21: {  	_ = 	snop  }
0x22: {  	[tilespmem:s16], [sflag:$0x1] =	stream.indirect.gather [hbm4b:s4+s13], $0x1, s13, s13, $0xb8;
	[tilespmem:$0xA10] =	vst v63  }
0x23: {  	_ = 	snop  }
0x24: {  	[tilespmem:s18], [sflag:$0x1] =	stream.indirect.gather [hbm4b:s5+s13], $0x1, s17, s13, $0xb8;
	[tilespmem:$0xA10] =	vst v63  }
0x25: {  	_ = 	snop  }
0x26: {  	[tilespmem:s20], [sflag:$0x1] =	stream.indirect.gather [hbm4b:s4+s13], $0x1, s19, s13, $0xb8;
	[tilespmem:$0xA10] =	vst v63  }
0x27: {  	_ = 	snop  }
0x28: {  	[tilespmem:s22], [sflag:$0x1] =	stream.indirect.gather [hbm4b:s5+s13], $0x1, s21, s13, $0xb8;
	[tilespmem:$0xA10] =	vst v63  }
0x29: {  	_ = 	snop  }
0x2a: {  	[tilespmem:s24], [sflag:$0x1] =	stream.indirect.gather [hbm4b:s4+s13], $0x1, s23, s13, $0xb8;
	[tilespmem:$0xA10] =	vst v63  }
0x2b: {  	_ = 	snop  }
0x2c: {  	[tilespmem:s26], [sflag:$0x1] =	stream.indirect.gather [hbm4b:s5+s13], $0x1, s25, s13, $0xb8;
	[tilespmem:$0xA10] =	vst v63  }
0x2d: {  	_ =	swait.ge [sflag:s28], $0x80  }
0x2e: {  	[sflag:s28] =	ssyncset.done $0x0  }
0x2f: {  	[sflag:s28] =	ssyncadd.s32 $0xFFFFFF80  }
0x30: {  	_ =	swait.ge [sflag:s28], $0x80  }
0x31: {  	[sflag:s28] =	ssyncset.done $0x0  }
0x32: {  	[sflag:s28] =	ssyncadd.s32 $0xFFFFFF80  }
0x33: {  	_ =	swait.ge [sflag:s28], $0x80  }
0x34: {  	[sflag:s28] =	ssyncset.done $0x0  }
0x35: {  	[sflag:s28] =	ssyncadd.s32 $0xFFFFFF80  }
0x36: {  	_ =	swait.ge [sflag:s28], $0x80  }
0x37: {  	[sflag:s28] =	ssyncset.done $0x0  }
0x38: {  	[sflag:s28] =	ssyncadd.s32 $0xFFFFFF80  }
0x39: {  	_ =	swait.ge [sflag:s28], $0x80  }
0x3a: {  	[sflag:s28] =	ssyncset.done $0x0  }
0x3b: {  	[sflag:s28] =	ssyncadd.s32 $0xFFFFFF80  }
0x3c: {  	_ =	swait.ge [sflag:s28], $0x80  }
0x3d: {  	[sflag:s28] =	ssyncset.done $0x0  }
0x3e: {  	[sflag:s28] =	ssyncadd.s32 $0xFFFFFF80  }
0x3f: {  	_ =	swait.ge [sflag:s28], $0x80  }
0x40: {  	[sflag:s28] =	ssyncset.done $0x0  }
0x41: {  	[sflag:s28] =	ssyncadd.s32 $0xFFFFFF80  }
0x42: {  	_ =	swait.ge [sflag:s28], $0x80  }
0x43: {  	[sflag:s28] =	ssyncset.done $0x0  }
0x44: {  	[sflag:s28] =	ssyncadd.s32 $0xFFFFFF80  }
0x45: {  	v1 =	vld [tilespmem:$0x400]  }
0x46: {  	v2 =	vld [tilespmem:$0x600];
	_ =	sdelay $0x1  }
0x47: {  	v0 =	vld [tilespmem:$0x800];
	_ =	sdelay $0x2  }
0x48: {  	v1 =	vadd.f32 v2, v1;
	_ =	sdelay $0x1  }
0x49: {  	v1 =	vadd.f32 v1, v0;
	_ =	sdelay $0x1  }
0x4a: {  	v1 =	vsub.f32 $0.0e+00, v1;
	_ =	sdelay $0x1  }
0x4b: {  	v1 =	vmul.f32 $1.442695020e+00, v1  }
0x4c: {  	v18 =	vld [tilespmem:$0x410]  }
0x4d: {  	v19 =	vld [tilespmem:$0x610];
	(erf) = vpow2.f32 v1;
	_ =	sdelay $0x4  }
0x4e: {  	v1 =	vadd.f32 v19, v18;
	_ =	sdelay $0x1  }
0x4f: {  	v1 =	vadd.f32 v1, v0;
	_ =	sdelay $0x1  }
0x50: {  	v1 =	vsub.f32 $0.0e+00, v1;
	v20 =	vpop (erf)  }
0x51: {  	v2 =	vadd.f32 $1.000000000e+00, v20  }
0x52: {  	v21 =	vld [tilespmem:$0x420];
	v1 =	vmul.f32 $1.442695020e+00, v1  }
0x53: {  	v22 =	vld [tilespmem:$0x620];
	(erf) = vrcp.f32 v2  }
0x54: {  	(erf) = vpow2.f32 v1;
	_ =	sdelay $0x3  }
0x55: {  	v1 =	vadd.f32 v22, v21;
	_ =	sdelay $0x2  }
0x56: {  	v2 =	vadd.f32 v1, v0  }
0x57: {  	v1 =	vpop (erf)  }
0x58: {  	v2 =	vsub.f32 $0.0e+00, v2;
	v3 =	vpop (erf)  }
0x59: {  	v3 =	vadd.f32 $1.000000000e+00, v3  }
0x5a: {  	v23 =	vld [tilespmem:$0x430];
	v2 =	vmul.f32 $1.442695020e+00, v2  }
0x5b: {  	v24 =	vld [tilespmem:$0x630];
	(erf) = vrcp.f32 v3  }
0x5c: {  	(erf) = vpow2.f32 v2;
	_ =	sdelay $0x3  }
0x5d: {  	v2 =	vadd.f32 v24, v23;
	_ =	sdelay $0x2  }
0x5e: {  	v3 =	vadd.f32 v2, v0  }
0x5f: {  	v2 =	vpop (erf)  }
0x60: {  	v3 =	vsub.f32 $0.0e+00, v3;
	v4 =	vpop (erf)  }
0x61: {  	v4 =	vadd.f32 $1.000000000e+00, v4  }
0x62: {  	v25 =	vld [tilespmem:$0x440];
	v3 =	vmul.f32 $1.442695020e+00, v3  }
0x63: {  	v26 =	vld [tilespmem:$0x640];
	(erf) = vrcp.f32 v4  }
0x64: {  	(erf) = vpow2.f32 v3;
	_ =	sdelay $0x3  }
0x65: {  	v3 =	vadd.f32 v26, v25;
	_ =	sdelay $0x2  }
0x66: {  	v4 =	vadd.f32 v3, v0  }
0x67: {  	v3 =	vpop (erf)  }
0x68: {  	v4 =	vsub.f32 $0.0e+00, v4;
	v5 =	vpop (erf)  }
0x69: {  	v5 =	vadd.f32 $1.000000000e+00, v5  }
0x6a: {  	v27 =	vld [tilespmem:$0x450];
	v4 =	vmul.f32 $1.442695020e+00, v4  }
0x6b: {  	v28 =	vld [tilespmem:$0x650];
	(erf) = vrcp.f32 v5  }
0x6c: {  	(erf) = vpow2.f32 v4;
	_ =	sdelay $0x3  }
0x6d: {  	v4 =	vadd.f32 v28, v27;
	_ =	sdelay $0x2  }
0x6e: {  	v5 =	vadd.f32 v4, v0  }
0x6f: {  	v4 =	vpop (erf)  }
0x70: {  	v5 =	vsub.f32 $0.0e+00, v5;
	v6 =	vpop (erf)  }
0x71: {  	v6 =	vadd.f32 $1.000000000e+00, v6  }
0x72: {  	v29 =	vld [tilespmem:$0x460];
	v5 =	vmul.f32 $1.442695020e+00, v5  }
0x73: {  	v30 =	vld [tilespmem:$0x660];
	(erf) = vrcp.f32 v6  }
0x74: {  	(erf) = vpow2.f32 v5;
	_ =	sdelay $0x3  }
0x75: {  	v5 =	vadd.f32 v30, v29;
	_ =	sdelay $0x2  }
0x76: {  	v6 =	vadd.f32 v5, v0  }
0x77: {  	v5 =	vpop (erf)  }
0x78: {  	v6 =	vsub.f32 $0.0e+00, v6;
	v7 =	vpop (erf)  }
0x79: {  	v7 =	vadd.f32 $1.000000000e+00, v7  }
0x7a: {  	v31 =	vld [tilespmem:$0x470];
	v6 =	vmul.f32 $1.442695020e+00, v6  }
0x7b: {  	v32 =	vld [tilespmem:$0x670];
	(erf) = vrcp.f32 v7  }
0x7c: {  	(erf) = vpow2.f32 v6;
	_ =	sdelay $0x3  }
0x7d: {  	v6 =	vadd.f32 v32, v31;
	_ =	sdelay $0x2  }
0x7e: {  	v7 =	vadd.f32 v6, v0  }
0x7f: {  	v6 =	vpop (erf)  }
0x80: {  	v7 =	vsub.f32 $0.0e+00, v7;
	v8 =	vpop (erf)  }
0x81: {  	v8 =	vadd.f32 $1.000000000e+00, v8  }
0x82: {  	v33 =	vld [tilespmem:$0x480];
	v7 =	vmul.f32 $1.442695020e+00, v7  }
0x83: {  	v34 =	vld [tilespmem:$0x680];
	(erf) = vrcp.f32 v8  }
0x84: {  	(erf) = vpow2.f32 v7;
	_ =	sdelay $0x3  }
0x85: {  	v7 =	vadd.f32 v34, v33;
	_ =	sdelay $0x2  }
0x86: {  	v8 =	vadd.f32 v7, v0  }
0x87: {  	v7 =	vpop (erf)  }
0x88: {  	v8 =	vsub.f32 $0.0e+00, v8;
	v9 =	vpop (erf)  }
0x89: {  	v9 =	vadd.f32 $1.000000000e+00, v9  }
0x8a: {  	v35 =	vld [tilespmem:$0x490];
	v8 =	vmul.f32 $1.442695020e+00, v8  }
0x8b: {  	v36 =	vld [tilespmem:$0x690];
	(erf) = vrcp.f32 v9  }
0x8c: {  	(erf) = vpow2.f32 v8;
	_ =	sdelay $0x3  }
0x8d: {  	v8 =	vadd.f32 v36, v35;
	_ =	sdelay $0x2  }
0x8e: {  	v9 =	vadd.f32 v8, v0  }
0x8f: {  	v8 =	vpop (erf)  }
0x90: {  	v9 =	vsub.f32 $0.0e+00, v9;
	v10 =	vpop (erf)  }
0x91: {  	v10 =	vadd.f32 $1.000000000e+00, v10  }
0x92: {  	v37 =	vld [tilespmem:$0x4A0];
	v9 =	vmul.f32 $1.442695020e+00, v9  }
0x93: {  	v38 =	vld [tilespmem:$0x6A0];
	(erf) = vrcp.f32 v10  }
0x94: {  	(erf) = vpow2.f32 v9;
	_ =	sdelay $0x3  }
0x95: {  	v9 =	vadd.f32 v38, v37;
	_ =	sdelay $0x2  }
0x96: {  	v10 =	vadd.f32 v9, v0  }
0x97: {  	v9 =	vpop (erf)  }
0x98: {  	v10 =	vsub.f32 $0.0e+00, v10;
	v11 =	vpop (erf)  }
0x99: {  	v11 =	vadd.f32 $1.000000000e+00, v11  }
0x9a: {  	v39 =	vld [tilespmem:$0x4B0];
	v10 =	vmul.f32 $1.442695020e+00, v10  }
0x9b: {  	v40 =	vld [tilespmem:$0x6B0];
	(erf) = vrcp.f32 v11  }
0x9c: {  	(erf) = vpow2.f32 v10;
	_ =	sdelay $0x3  }
0x9d: {  	v10 =	vadd.f32 v40, v39;
	_ =	sdelay $0x2  }
0x9e: {  	v11 =	vadd.f32 v10, v0  }
0x9f: {  	v10 =	vpop (erf)  }
0xa0: {  	v11 =	vsub.f32 $0.0e+00, v11;
	v12 =	vpop (erf)  }
0xa1: {  	v12 =	vadd.f32 $1.000000000e+00, v12  }
0xa2: {  	v41 =	vld [tilespmem:$0x4C0];
	v11 =	vmul.f32 $1.442695020e+00, v11  }
0xa3: {  	v42 =	vld [tilespmem:$0x6C0];
	(erf) = vrcp.f32 v12  }
0xa4: {  	(erf) = vpow2.f32 v11;
	_ =	sdelay $0x3  }
0xa5: {  	v11 =	vadd.f32 v42, v41;
	_ =	sdelay $0x2  }
0xa6: {  	v12 =	vadd.f32 v11, v0  }
0xa7: {  	v11 =	vpop (erf)  }
0xa8: {  	v12 =	vsub.f32 $0.0e+00, v12;
	v13 =	vpop (erf)  }
0xa9: {  	v13 =	vadd.f32 $1.000000000e+00, v13  }
0xaa: {  	v43 =	vld [tilespmem:$0x4D0];
	v12 =	vmul.f32 $1.442695020e+00, v12  }
0xab: {  	v44 =	vld [tilespmem:$0x6D0];
	(erf) = vrcp.f32 v13  }
0xac: {  	(erf) = vpow2.f32 v12;
	_ =	sdelay $0x3  }
0xad: {  	v12 =	vadd.f32 v44, v43;
	_ =	sdelay $0x2  }
0xae: {  	v13 =	vadd.f32 v12, v0  }
0xaf: {  	v12 =	vpop (erf)  }
0xb0: {  	v13 =	vsub.f32 $0.0e+00, v13;
	v14 =	vpop (erf)  }
0xb1: {  	v14 =	vadd.f32 $1.000000000e+00, v14  }
0xb2: {  	v45 =	vld [tilespmem:$0x4E0];
	v13 =	vmul.f32 $1.442695020e+00, v13  }
0xb3: {  	v46 =	vld [tilespmem:$0x6E0];
	(erf) = vrcp.f32 v14  }
0xb4: {  	(erf) = vpow2.f32 v13;
	_ =	sdelay $0x3  }
0xb5: {  	v13 =	vadd.f32 v46, v45;
	_ =	sdelay $0x2  }
0xb6: {  	v14 =	vadd.f32 v13, v0  }
0xb7: {  	v13 =	vpop (erf)  }
0xb8: {  	v14 =	vsub.f32 $0.0e+00, v14;
	v15 =	vpop (erf)  }
0xb9: {  	v15 =	vadd.f32 $1.000000000e+00, v15  }
0xba: {  	v47 =	vld [tilespmem:$0x4F0];
	v14 =	vmul.f32 $1.442695020e+00, v14  }
0xbb: {  	v48 =	vld [tilespmem:$0x6F0];
	(erf) = vrcp.f32 v15  }
0xbc: {  	(erf) = vpow2.f32 v14;
	_ =	sdelay $0x3  }
0xbd: {  	v14 =	vadd.f32 v48, v47;
	_ =	sdelay $0x2  }
0xbe: {  	v15 =	vadd.f32 v14, v0  }
0xbf: {  	v14 =	vpop (erf)  }
0xc0: {  	v15 =	vsub.f32 $0.0e+00, v15;
	v16 =	vpop (erf)  }
0xc1: {  	v16 =	vadd.f32 $1.000000000e+00, v16  }
0xc2: {  	v49 =	vld [tilespmem:$0x500];
	v15 =	vmul.f32 $1.442695020e+00, v15  }
0xc3: {  	v50 =	vld [tilespmem:$0x700];
	(erf) = vrcp.f32 v16  }
0xc4: {  	(erf) = vpow2.f32 v15;
	_ =	sdelay $0x3  }
0xc5: {  	v15 =	vadd.f32 v50, v49;
	_ =	sdelay $0x2  }
0xc6: {  	v16 =	vadd.f32 v15, v0  }
0xc7: {  	v15 =	vpop (erf)  }
0xc8: {  	v16 =	vsub.f32 $0.0e+00, v16;
	v17 =	vpop (erf)  }
0xc9: {  	v17 =	vadd.f32 $1.000000000e+00, v17  }
0xca: {  	v51 =	vld [tilespmem:$0x510];
	v16 =	vmul.f32 $1.442695020e+00, v16  }
0xcb: {  	v52 =	vld [tilespmem:$0x710];
	(erf) = vrcp.f32 v17  }
0xcc: {  	(erf) = vpow2.f32 v16;
	_ =	sdelay $0x3  }
0xcd: {  	v16 =	vadd.f32 v52, v51;
	_ =	sdelay $0x2  }
0xce: {  	v17 =	vadd.f32 v16, v0  }
0xcf: {  	v16 =	vpop (erf)  }
0xd0: {  	v17 =	vsub.f32 $0.0e+00, v17;
	v18 =	vpop (erf)  }
0xd1: {  	v18 =	vadd.f32 $1.000000000e+00, v18  }
0xd2: {  	v53 =	vld [tilespmem:$0x520];
	v17 =	vmul.f32 $1.442695020e+00, v17  }
0xd3: {  	v54 =	vld [tilespmem:$0x720];
	(erf) = vrcp.f32 v18  }
0xd4: {  	(erf) = vpow2.f32 v17;
	_ =	sdelay $0x3  }
0xd5: {  	v17 =	vadd.f32 v54, v53;
	_ =	sdelay $0x2  }
0xd6: {  	v18 =	vadd.f32 v17, v0  }
0xd7: {  	v17 =	vpop (erf)  }
0xd8: {  	v18 =	vsub.f32 $0.0e+00, v18;
	v19 =	vpop (erf)  }
0xd9: {  	v19 =	vadd.f32 $1.000000000e+00, v19  }
0xda: {  	v55 =	vld [tilespmem:$0x530];
	v18 =	vmul.f32 $1.442695020e+00, v18  }
0xdb: {  	v56 =	vld [tilespmem:$0x730];
	(erf) = vrcp.f32 v19  }
0xdc: {  	(erf) = vpow2.f32 v18;
	_ =	sdelay $0x3  }
0xdd: {  	v18 =	vadd.f32 v56, v55;
	_ =	sdelay $0x2  }
0xde: {  	v19 =	vadd.f32 v18, v0  }
0xdf: {  	v18 =	vpop (erf)  }
0xe0: {  	v19 =	vsub.f32 $0.0e+00, v19;
	v20 =	vpop (erf)  }
0xe1: {  	v20 =	vadd.f32 $1.000000000e+00, v20  }
0xe2: {  	v57 =	vld [tilespmem:$0x540];
	v19 =	vmul.f32 $1.442695020e+00, v19  }
0xe3: {  	v58 =	vld [tilespmem:$0x740];
	(erf) = vrcp.f32 v20  }
0xe4: {  	(erf) = vpow2.f32 v19;
	_ =	sdelay $0x3  }
0xe5: {  	v19 =	vadd.f32 v58, v57;
	_ =	sdelay $0x2  }
0xe6: {  	v20 =	vadd.f32 v19, v0  }
0xe7: {  	v19 =	vpop (erf)  }
0xe8: {  	v20 =	vsub.f32 $0.0e+00, v20;
	v21 =	vpop (erf)  }
0xe9: {  	v21 =	vadd.f32 $1.000000000e+00, v21  }
0xea: {  	v59 =	vld [tilespmem:$0x550];
	v20 =	vmul.f32 $1.442695020e+00, v20  }
0xeb: {  	v60 =	vld [tilespmem:$0x750];
	(erf) = vrcp.f32 v21  }
0xec: {  	(erf) = vpow2.f32 v20;
	_ =	sdelay $0x3  }
0xed: {  	v20 =	vadd.f32 v60, v59;
	_ =	sdelay $0x2  }
0xee: {  	v21 =	vadd.f32 v20, v0  }
0xef: {  	v20 =	vpop (erf)  }
0xf0: {  	v21 =	vsub.f32 $0.0e+00, v21;
	v22 =	vpop (erf)  }
0xf1: {  	v22 =	vadd.f32 $1.000000000e+00, v22  }
0xf2: {  	v21 =	vmul.f32 $1.442695020e+00, v21  }
0xf3: {  	v61 =	vld [tilespmem:$0x560];
	(erf) = vrcp.f32 v22  }
0xf4: {  	v62 =	vld [tilespmem:$0x760];
	(erf) = vpow2.f32 v21;
	_ =	sdelay $0x4  }
0xf5: {  	v21 =	vadd.f32 v62, v61;
	_ =	sdelay $0x1  }
0xf6: {  	v22 =	vadd.f32 v21, v0  }
0xf7: {  	v63 =	vpop (erf)  }
0xf8: {  	v22 =	vsub.f32 $0.0e+00, v22;
	v23 =	vpop (erf)  }
0xf9: {  	v23 =	vadd.f32 $1.000000000e+00, v23  }
0xfa: {  	v22 =	vmul.f32 $1.442695020e+00, v22  }
0xfb: {  	v32 =	vld [tilespmem:$0x570];
	(erf) = vrcp.f32 v23  }
0xfc: {  	v33 =	vld [tilespmem:$0x770];
	(erf) = vpow2.f32 v22;
	_ =	sdelay $0x4  }
0xfd: {  	v22 =	vadd.f32 v33, v32;
	_ =	sdelay $0x1  }
0xfe: {  	v22 =	vadd.f32 v22, v0  }
0xff: {  	v34 =	vpop (erf)  }
0x100: {  	v22 =	vsub.f32 $0.0e+00, v22;
	v24 =	vpop (erf)  }
0x101: {  	v24 =	vadd.f32 $1.000000000e+00, v24  }
0x102: {  	v22 =	vmul.f32 $1.442695020e+00, v22  }
0x103: {  	v35 =	vld [tilespmem:$0x580];
	(erf) = vrcp.f32 v24  }
0x104: {  	v36 =	vld [tilespmem:$0x780];
	(erf) = vpow2.f32 v22;
	_ =	sdelay $0x4  }
0x105: {  	v22 =	vadd.f32 v36, v35;
	_ =	sdelay $0x1  }
0x106: {  	v22 =	vadd.f32 v22, v0  }
0x107: {  	v37 =	vpop (erf)  }
0x108: {  	v22 =	vsub.f32 $0.0e+00, v22;
	v25 =	vpop (erf)  }
0x109: {  	v25 =	vadd.f32 $1.000000000e+00, v25  }
0x10a: {  	v22 =	vmul.f32 $1.442695020e+00, v22  }
0x10b: {  	v38 =	vld [tilespmem:$0x590];
	(erf) = vrcp.f32 v25  }
0x10c: {  	v39 =	vld [tilespmem:$0x790];
	(erf) = vpow2.f32 v22;
	_ =	sdelay $0x4  }
0x10d: {  	v22 =	vadd.f32 v39, v38;
	_ =	sdelay $0x1  }
0x10e: {  	v22 =	vadd.f32 v22, v0  }
0x10f: {  	v40 =	vpop (erf)  }
0x110: {  	v22 =	vsub.f32 $0.0e+00, v22;
	v26 =	vpop (erf)  }
0x111: {  	v26 =	vadd.f32 $1.000000000e+00, v26  }
0x112: {  	v22 =	vmul.f32 $1.442695020e+00, v22  }
0x113: {  	v41 =	vld [tilespmem:$0x5A0];
	(erf) = vrcp.f32 v26  }
0x114: {  	v42 =	vld [tilespmem:$0x7A0];
	(erf) = vpow2.f32 v22;
	_ =	sdelay $0x4  }
0x115: {  	v22 =	vadd.f32 v42, v41;
	_ =	sdelay $0x1  }
0x116: {  	v22 =	vadd.f32 v22, v0  }
0x117: {  	v43 =	vpop (erf)  }
0x118: {  	v22 =	vsub.f32 $0.0e+00, v22;
	v27 =	vpop (erf)  }
0x119: {  	v27 =	vadd.f32 $1.000000000e+00, v27  }
0x11a: {  	v22 =	vmul.f32 $1.442695020e+00, v22  }
0x11b: {  	v44 =	vld [tilespmem:$0x5B0];
	(erf) = vrcp.f32 v27  }
0x11c: {  	v45 =	vld [tilespmem:$0x7B0];
	(erf) = vpow2.f32 v22;
	_ =	sdelay $0x4  }
0x11d: {  	v22 =	vadd.f32 v45, v44;
	_ =	sdelay $0x1  }
0x11e: {  	v22 =	vadd.f32 v22, v0  }
0x11f: {  	v46 =	vpop (erf)  }
0x120: {  	v22 =	vsub.f32 $0.0e+00, v22;
	v28 =	vpop (erf)  }
0x121: {  	v28 =	vadd.f32 $1.000000000e+00, v28  }
0x122: {  	v22 =	vmul.f32 $1.442695020e+00, v22  }
0x123: {  	v47 =	vld [tilespmem:$0x5C0];
	(erf) = vrcp.f32 v28  }
0x124: {  	v48 =	vld [tilespmem:$0x7C0];
	(erf) = vpow2.f32 v22;
	_ =	sdelay $0x4  }
0x125: {  	v22 =	vadd.f32 v48, v47;
	_ =	sdelay $0x1  }
0x126: {  	v22 =	vadd.f32 v22, v0  }
0x127: {  	v49 =	vpop (erf)  }
0x128: {  	v22 =	vsub.f32 $0.0e+00, v22;
	v29 =	vpop (erf)  }
0x129: {  	v29 =	vadd.f32 $1.000000000e+00, v29  }
0x12a: {  	v22 =	vmul.f32 $1.442695020e+00, v22  }
0x12b: {  	v50 =	vld [tilespmem:$0x5D0];
	(erf) = vrcp.f32 v29  }
0x12c: {  	v51 =	vld [tilespmem:$0x7D0];
	(erf) = vpow2.f32 v22;
	_ =	sdelay $0x4  }
0x12d: {  	v22 =	vadd.f32 v51, v50;
	_ =	sdelay $0x1  }
0x12e: {  	v22 =	vadd.f32 v22, v0  }
0x12f: {  	v52 =	vpop (erf)  }
0x130: {  	v22 =	vsub.f32 $0.0e+00, v22;
	v30 =	vpop (erf)  }
0x131: {  	v30 =	vadd.f32 $1.000000000e+00, v30  }
0x132: {  	v22 =	vmul.f32 $1.442695020e+00, v22  }
0x133: {  	v53 =	vld [tilespmem:$0x5E0];
	(erf) = vrcp.f32 v30  }
0x134: {  	v54 =	vld [tilespmem:$0x7E0];
	(erf) = vpow2.f32 v22;
	_ =	sdelay $0x4  }
0x135: {  	v22 =	vadd.f32 v54, v53;
	_ =	sdelay $0x1  }
0x136: {  	v22 =	vadd.f32 v22, v0  }
0x137: {  	v55 =	vpop (erf)  }
0x138: {  	v22 =	vsub.f32 $0.0e+00, v22;
	v31 =	vpop (erf)  }
0x139: {  	v31 =	vadd.f32 $1.000000000e+00, v31  }
0x13a: {  	v22 =	vmul.f32 $1.442695020e+00, v22  }
0x13b: {  	v56 =	vld [tilespmem:$0x5F0];
	(erf) = vrcp.f32 v31  }
0x13c: {  	v57 =	vld [tilespmem:$0x7F0];
	(erf) = vpow2.f32 v22;
	_ =	sdelay $0x3  }
0x13d: {  	[tilespmem:$0x810] =	vst v1  }
0x13e: {  	[tilespmem:$0x820] =	vst v2;
	v58 =	vadd.f32 v57, v56  }
0x13f: {  	[tilespmem:$0x830] =	vst v3  }
0x140: {  	[tilespmem:$0x840] =	vst v4;
	v0 =	vadd.f32 v58, v0  }
0x141: {  	[tilespmem:$0x850] =	vst v5;
	v59 =	vpop (erf)  }
0x142: {  	[tilespmem:$0x860] =	vst v6;
	v0 =	vsub.f32 $0.0e+00, v0;
	v60 =	vpop (erf)  }
0x143: {  	[tilespmem:$0x870] =	vst v7;
	v2 =	vadd.f32 $1.000000000e+00, v60  }
0x144: {  	[tilespmem:$0x880] =	vst v8;
	v0 =	vmul.f32 $1.442695020e+00, v0  }
0x145: {  	[tilespmem:$0x890] =	vst v9;
	(erf) = vrcp.f32 v2  }
0x146: {  	[tilespmem:$0x8A0] =	vst v10;
	(erf) = vpow2.f32 v0  }
0x147: {  	[tilespmem:$0x8B0] =	vst v11  }
0x148: {  	[tilespmem:$0x8C0] =	vst v12  }
0x149: {  	[tilespmem:$0x8D0] =	vst v13  }
0x14a: {  	[tilespmem:$0x8E0] =	vst v14  }
0x14b: {  	[tilespmem:$0x8F0] =	vst v15  }
0x14c: {  	[tilespmem:$0x900] =	vst v16  }
0x14d: {  	[tilespmem:$0x910] =	vst v17  }
0x14e: {  	[tilespmem:$0x920] =	vst v18;
	v61 =	vpop (erf)  }
0x14f: {  	[tilespmem:$0x930] =	vst v19;
	v62 =	vpop (erf)  }
0x150: {  	[tilespmem:$0x940] =	vst v20;
	v2 =	vadd.f32 $1.000000000e+00, v62  }
0x151: {  	[tilespmem:$0x950] =	vst v63  }
0x152: {  	[tilespmem:$0x960] =	vst v34;
	(erf) = vrcp.f32 v2  }
0x153: {  	[tilespmem:$0x970] =	vst v37  }
0x154: {  	[tilespmem:$0x980] =	vst v40  }
0x155: {  	[tilespmem:$0x990] =	vst v43  }
0x156: {  	[tilespmem:$0x9A0] =	vst v46  }
0x157: {  	[tilespmem:$0x9B0] =	vst v49  }
0x158: {  	[tilespmem:$0x9C0] =	vst v52  }
0x159: {  	[tilespmem:$0x9D0] =	vst v55  }
0x15a: {  	[tilespmem:$0x9E0] =	vst v59  }
0x15b: {  	p0 =	sne.s32 s9, $0x1;
	[tilespmem:$0x9F0] =	vst v61;
	v63 =	vpop (erf)  }
.Ltmp0:
0x15c: {  	[tilespmem:$0xA00] =	vst v63;
	(pc) =	sbr.rel @p0 .LBB2_1-.Ltmp0, $4  }
0x15d: {  	[hbm4b:s8+s1] =	stream.linear.scatter [tilespmem:s29], [sflag:$0x2], $0x200, $0x38;
	[tilespmem:$0xA10] =	vst v63  }
0x15e: {  	_ =	swait.ge [sflag:s10], $0x200  }
0x15f: {  	[sflag:s10] =	ssyncset.done $0x0  }
0x160: {  	s9 =	sadd.s32 $0xFFFFFFFF, s9;
	[sflag:s10] =	ssyncadd.s32 $0xFFFFFE00  }
0x161: {  	_ =	sfence.sel $0x180000  }
0x162: {  	[bflag:$0x0] =	sbarrier.arrive $0xFFFF  }
0x163: {  	p0 =	sne.s32 s2, $0x0;
	_ =	strace $0x90000047  }
0x164: {  	s0 =	sadd.s32 @!p0 $0x100000, s0;
	[bflag:$0x2] =	sbarrier.arrive $0xFFFF  }
0x165: {  	[sflag:s0] =	ssyncadd.tile.s32 @!p0 $0x1;
	_ =	shalt  }
.Lfunc_end2:
_tile_overlayer_lowered:
.L_overlay_start_2:
0x166: {  	(tag) =	ssettag $0x2  }
0x167: {  	s0 =	rddreg [dreg:$0x0];
	s2 =	stileid.u32  }
0x168: {  	s1 =	rddreg [dreg:$0x1];
	p0 =	sne.s32 s2, $0x0  }
0x169: {  	s3 =	rddreg [dreg:$0x2];
	[bflag:$0x3] =	sbarrier.arrive $0xFFFF;
	s2 =	simm.s32 @!p0 $0x1C02  }
0x16a: {  	[timem:s3], [sflag:s2] =	dma.local @!p0 [hbm:s0], s1  }
0x16b: {  	s0 =	simm.s32 @!p0 $0x2  }
0x16c: {  	_ =	swait.ge @!p0 [sflag:s0], s1  }
0x16d: {  	s1 =	ssub.s32 @!p0 $0x0, s1;
	[sflag:s0] =	ssyncset.done @!p0 $0x0  }
0x16e: {  	[sflag:s0] =	ssyncadd.s32 @!p0 s1  }
0x16f: {  	[bflag:$0x3] =	sbarrier.arrive $0xFFFF  }
0x170: {  	_ =	shalt  }

</sc_bundles>
